<compile_context>
chip_gen: v7x
topology: tpu7x:2x2x1
jax: 0.10.2.dev20260603
libtpu: 0.0.44.dev20260713+nightly
codegen_flags: <defaults>
</compile_context>

<pallas_src>
import functools

import jax
import jax.numpy as jnp
from jax import lax
from jax.experimental import pallas as pl
from jax.experimental.pallas import tpu as pltpu
from jax.experimental.pallas import tpu_sc as plsc

B = 4096
U = 4096
I = 8192
D = 64

NC = 2
NS = 16
NW = NC * NS
L = 16
BPW = B // NW
NG = BPW // L
DC = D // L
CHUNKS = (32, 32, 32, 32)

_mesh = plsc.VectorSubcoreMesh(core_axis_name="c", subcore_axis_name="s")


@functools.partial(
    pl.kernel,
    mesh=_mesh,
    out_type=(
        jax.ShapeDtypeStruct((B,), jnp.float32),
        jax.ShapeDtypeStruct((B,), jnp.float32),
    ),
    scratch_types=dict(
        idx_u=pltpu.VMEM((BPW,), jnp.int32),
        idx_i=pltpu.VMEM((BPW,), jnp.int32),
        idx_j=pltpu.VMEM((BPW,), jnp.int32),
        idx_il=pltpu.VMEM((BPW,), jnp.int32),
        idx_jl=pltpu.VMEM((BPW,), jnp.int32),
        u_rows=pltpu.VMEM((BPW, D), jnp.float32),
        ei_rows=pltpu.VMEM((BPW, D), jnp.float32),
        ej_rows=pltpu.VMEM((BPW, D), jnp.float32),
        lin_u=pltpu.VMEM((BPW,), jnp.float32),
        lin_iv=pltpu.VMEM((BPW,), jnp.float32),
        lin_jv=pltpu.VMEM((BPW,), jnp.float32),
        out_i_v=pltpu.VMEM((BPW,), jnp.float32),
        out_j_v=pltpu.VMEM((BPW,), jnp.float32),
        sem_a=pltpu.SemaphoreType.DMA,
        sem_b=pltpu.SemaphoreType.DMA,
        sem_c=pltpu.SemaphoreType.DMA,
        sem_d=pltpu.SemaphoreType.DMA,
        sem_l=pltpu.SemaphoreType.DMA,
    ),
    compiler_params=pltpu.CompilerParams(
        needs_layout_passes=False, use_tc_tiling_on_sc=False),
)
def _fm_kernel(
    user_hbm, item_i_hbm, item_j_hbm, lin_hbm, eu_hbm, eit_hbm,
    out_i_hbm, out_j_hbm,
    *, idx_u, idx_i, idx_j, idx_il, idx_jl, u_rows, ei_rows, ej_rows,
    lin_u, lin_iv, lin_jv, out_i_v, out_j_v, sem_a, sem_b, sem_c, sem_d,
    sem_l,
):
    wid = lax.axis_index("s") * NC + lax.axis_index("c")
    base = wid * BPW

    stage = [
        pltpu.async_copy(user_hbm.at[pl.ds(base, BPW)], idx_u, sem_l),
        pltpu.async_copy(item_i_hbm.at[pl.ds(base, BPW)], idx_i, sem_l),
        pltpu.async_copy(item_j_hbm.at[pl.ds(base, BPW)], idx_j, sem_l),
    ]
    for cp in stage:
        cp.wait()

    chunk_cps = []
    starts = [sum(CHUNKS[:k]) for k in range(len(CHUNKS))]
    for k, sem in ((0, sem_a), (1, sem_b), (2, sem_c), (3, sem_d)):
        sl = pl.ds(starts[k], CHUNKS[k])
        chunk_cps.append([
            pltpu.async_copy(eu_hbm.at[idx_u.at[sl]], u_rows.at[sl], sem),
            pltpu.async_copy(eit_hbm.at[idx_i.at[sl]], ei_rows.at[sl], sem),
            pltpu.async_copy(eit_hbm.at[idx_j.at[sl]], ej_rows.at[sl], sem),
        ])

    off_u = jnp.full((L,), U, jnp.int32)
    for c in range(NG):
        sl = pl.ds(c * L, L)
        idx_il[sl] = idx_i[sl] + off_u
        idx_jl[sl] = idx_j[sl] + off_u
    lin_cps = [
        pltpu.async_copy(lin_hbm.at[idx_u], lin_u, sem_l),
        pltpu.async_copy(lin_hbm.at[idx_il], lin_iv, sem_l),
        pltpu.async_copy(lin_hbm.at[idx_jl], lin_jv, sem_l),
    ]

    iota = lax.iota(jnp.int32, L)
    last_lane = iota == jnp.full((L,), L - 1, jnp.int32)

    for k in range(len(CHUNKS)):
        for cp in chunk_cps[k]:
            cp.wait()

        @plsc.parallel_loop(starts[k], starts[k] + CHUNKS[k], step=1,
                            unroll=4)
        def _row_dot(r):
            acc_i = None
            acc_j = None
            for c in range(DC):
                sl = pl.ds(c * L, L)
                uv = u_rows[r, sl]
                eiv = ei_rows[r, sl]
                ejv = ej_rows[r, sl]
                if acc_i is None:
                    acc_i = uv * eiv
                    acc_j = uv * ejv
                else:
                    acc_i = acc_i + uv * eiv
                    acc_j = acc_j + uv * ejv
            ridx = lax.broadcast(r, (L,))
            plsc.store_scatter(out_i_v, [ridx], plsc.cumsum(acc_i),
                               mask=last_lane)
            plsc.store_scatter(out_j_v, [ridx], plsc.cumsum(acc_j),
                               mask=last_lane)

    for cp in lin_cps:
        cp.wait()
    scale = jnp.full((L,), 0.3, jnp.float32)
    for g in range(NG):
        sl = pl.ds(g * L, L)
        lu = lin_u[sl]
        out_i_v[sl] = out_i_v[sl] + scale * (lu + lin_iv[sl])
        out_j_v[sl] = out_j_v[sl] + scale * (lu + lin_jv[sl])

    outs = [
        pltpu.async_copy(out_i_v, out_i_hbm.at[pl.ds(base, BPW)], sem_l),
        pltpu.async_copy(out_j_v, out_j_hbm.at[pl.ds(base, BPW)], sem_l),
    ]
    for cp in outs:
        cp.wait()


def kernel(user, item_i, item_j, linear_w, embed_user_w, embed_item_w):
    user = user.astype(jnp.int32)
    item_i = item_i.astype(jnp.int32)
    item_j = item_j.astype(jnp.int32)
    lin_flat = linear_w.reshape(-1)
    return _fm_kernel(user, item_i, item_j, lin_flat, embed_user_w,
                      embed_item_w)

# --- scband reference (transcript-rebuilt; emitter-appended) ---
"""Pipeline reference for scband-fmrecommender-10342281248897 (READ-ONLY COPY).

The authoritative reference and input builder live on the scoring server;
editing this copy changes nothing except your own understanding.
"""

import jax, jax.numpy as jnp
import numpy as np

B = 4096
U = 4096  # user_num
I = 8192  # item_num
D = 64    # embedding_size


def setup_inputs(seed: int = 0) -> dict:
    key = jax.random.key(seed)
    ks = jax.random.split(key, 6)
    user = jax.random.randint(ks[0], (B,), 0, U)
    item_i = jax.random.randint(ks[1], (B,), 0, I)
    item_j = jax.random.randint(ks[2], (B,), 0, I)
    # nn.Linear(U+I, 1, bias=False), init normal std=0.01 -> weight shape (1, U+I)
    linear_w = jax.random.normal(ks[3], (1, U + I), dtype=jnp.float32) * 0.01
    embed_user_w = jax.random.normal(ks[4], (U, D), dtype=jnp.float32)
    embed_item_w = jax.random.normal(ks[5], (I, D), dtype=jnp.float32)
    return {
        'user': user,
        'item_i': item_i,
        'item_j': item_j,
        'linear_w': linear_w,
        'embed_user_w': embed_user_w,
        'embed_item_w': embed_item_w,
    }


def reference(user, item_i, item_j, linear_w, embed_user_w, embed_item_w):
    user_num = embed_user_w.shape[0]
    item_num = embed_item_w.shape[0]
    # linear_part_user = eye(user_num); linear_part_item = eye(item_num)
    linear_part_user = jnp.eye(user_num, dtype=jnp.float32)
    linear_part_item = jnp.eye(item_num, dtype=jnp.float32)
    linear_user = linear_part_user[user]          # [B, U] one-hot gather
    linear_item_i = linear_part_item[item_i]      # [B, I]
    linear_item_j = linear_part_item[item_j]      # [B, I]
    linear_i = jnp.concatenate([linear_user, linear_item_i], axis=1)  # [B, U+I]
    linear_j = jnp.concatenate([linear_user, linear_item_j], axis=1)
    linear_i = jnp.squeeze(linear_i @ linear_w.T)  # [B]
    linear_j = jnp.squeeze(linear_j @ linear_w.T)  # [B]
    u = embed_user_w[user]       # [B, D]
    e_i = embed_item_w[item_i]   # [B, D]
    e_j = embed_item_w[item_j]   # [B, D]
    prediction_i = (u * e_i).sum(axis=-1)
    prediction_j = (u * e_j).sum(axis=-1)
    return (prediction_i + 0.3 * linear_i, prediction_j + 0.3 * linear_j)

if __name__ == "__main__":
    import jax
    _d = setup_inputs()
    print(jax.jit(kernel)(*tuple(_d.values())))

</pallas_src>

<mosaic_0001>
#map = affine_map<(d0, d1) -> (0)>
#map1 = affine_map<(d0, d1) -> (0, 0)>
module attributes {stable_mosaic.version = 14 : i64} {
  func.func @_fm_kernel(%arg0: i32, %arg1: i32, %arg2: memref<4096xi32, #tpu.memory_space<hbm>>, %arg3: memref<4096xi32, #tpu.memory_space<hbm>>, %arg4: memref<4096xi32, #tpu.memory_space<hbm>>, %arg5: memref<12288xf32, #tpu.memory_space<hbm>>, %arg6: memref<4096x64xf32, #tpu.memory_space<hbm>>, %arg7: memref<8192x64xf32, #tpu.memory_space<hbm>>, %arg8: memref<4096xf32, #tpu.memory_space<hbm>>, %arg9: memref<4096xf32, #tpu.memory_space<hbm>>, %arg10: memref<128x64xf32, #tpu.memory_space<vmem>>, %arg11: memref<128x64xf32, #tpu.memory_space<vmem>>, %arg12: memref<128xi32, #tpu.memory_space<vmem>>, %arg13: memref<128xi32, #tpu.memory_space<vmem>>, %arg14: memref<128xi32, #tpu.memory_space<vmem>>, %arg15: memref<128xi32, #tpu.memory_space<vmem>>, %arg16: memref<128xi32, #tpu.memory_space<vmem>>, %arg17: memref<128xf32, #tpu.memory_space<vmem>>, %arg18: memref<128xf32, #tpu.memory_space<vmem>>, %arg19: memref<128xf32, #tpu.memory_space<vmem>>, %arg20: memref<128xf32, #tpu.memory_space<vmem>>, %arg21: memref<128xf32, #tpu.memory_space<vmem>>, %arg22: memref<!tpu.dma_semaphore, #tpu.memory_space<semaphore_mem>>, %arg23: memref<!tpu.dma_semaphore, #tpu.memory_space<semaphore_mem>>, %arg24: memref<!tpu.dma_semaphore, #tpu.memory_space<semaphore_mem>>, %arg25: memref<!tpu.dma_semaphore, #tpu.memory_space<semaphore_mem>>, %arg26: memref<!tpu.dma_semaphore, #tpu.memory_space<semaphore_mem>>, %arg27: memref<128x64xf32, #tpu.memory_space<vmem>>) attributes {dimension_semantics = [#tpu.dimension_semantics<core_parallel>, #tpu.dimension_semantics<subcore_parallel>], iteration_bounds = array<i64: 2, 16>, scalar_prefetch = 0 : i64, scratch_operands = 18 : i64, tpu.core_type = #tpu.core_type<sc_vector_subcore>, window_params = [{transform_indices = #map}, {transform_indices = #map}, {transform_indices = #map}, {transform_indices = #map}, {transform_indices = #map1}, {transform_indices = #map1}, {transform_indices = #map}, {transform_indices = #map}]} {
    %mul3A = arith.constant 2 : i32
    %mul3A_0 = arith.muli %arg1, %mul3A : i32
    %add3A = arith.addi %mul3A_0, %arg0 : i32
    %mul3A_1 = arith.constant 128 : i32
    %mul3A_2 = arith.muli %add3A, %mul3A_1 : i32
    %dma_start3A = tpu.memref_slice %arg2[%mul3A_2] : memref<4096xi32, #tpu.memory_space<hbm>> -> memref<128xi32, #tpu.memory_space<hbm>>
    %dma_start3A_3 = tpu.memref_slice %arg2[%mul3A_2] : memref<4096xi32, #tpu.memory_space<hbm>> -> memref<128xi32, #tpu.memory_space<hbm>>
    tpu.enqueue_dma source(%dma_start3A_3 : memref<128xi32, #tpu.memory_space<hbm>>) target(%arg16 : memref<128xi32, #tpu.memory_space<vmem>>) target_semaphore(%arg26 : memref<!tpu.dma_semaphore, #tpu.memory_space<semaphore_mem>>)
    %dma_start3A_4 = tpu.memref_slice %arg3[%mul3A_2] : memref<4096xi32, #tpu.memory_space<hbm>> -> memref<128xi32, #tpu.memory_space<hbm>>
    %dma_start3A_5 = tpu.memref_slice %arg3[%mul3A_2] : memref<4096xi32, #tpu.memory_space<hbm>> -> memref<128xi32, #tpu.memory_space<hbm>>
    tpu.enqueue_dma source(%dma_start3A_5 : memref<128xi32, #tpu.memory_space<hbm>>) target(%arg12 : memref<128xi32, #tpu.memory_space<vmem>>) target_semaphore(%arg26 : memref<!tpu.dma_semaphore, #tpu.memory_space<semaphore_mem>>)
    %dma_start3A_6 = tpu.memref_slice %arg4[%mul3A_2] : memref<4096xi32, #tpu.memory_space<hbm>> -> memref<128xi32, #tpu.memory_space<hbm>>
    %dma_start3A_7 = tpu.memref_slice %arg4[%mul3A_2] : memref<4096xi32, #tpu.memory_space<hbm>> -> memref<128xi32, #tpu.memory_space<hbm>>
    tpu.enqueue_dma source(%dma_start3A_7 : memref<128xi32, #tpu.memory_space<hbm>>) target(%arg14 : memref<128xi32, #tpu.memory_space<vmem>>) target_semaphore(%arg26 : memref<!tpu.dma_semaphore, #tpu.memory_space<semaphore_mem>>)
    %dma_wait3A = tpu.memref_slice %arg2[%mul3A_2] : memref<4096xi32, #tpu.memory_space<hbm>> -> memref<128xi32, #tpu.memory_space<hbm>>
    %dma_wait3A_8 = tpu.memref_slice %arg2[%mul3A_2] : memref<4096xi32, #tpu.memory_space<hbm>> -> memref<128xi32, #tpu.memory_space<hbm>>
    tpu.wait_dma2 semaphore(%arg26 : memref<!tpu.dma_semaphore, #tpu.memory_space<semaphore_mem>>) src(%dma_wait3A_8 : memref<128xi32, #tpu.memory_space<hbm>>) dst(%arg16 : memref<128xi32, #tpu.memory_space<vmem>>)
    %dma_wait3A_9 = tpu.memref_slice %arg3[%mul3A_2] : memref<4096xi32, #tpu.memory_space<hbm>> -> memref<128xi32, #tpu.memory_space<hbm>>
    %dma_wait3A_10 = tpu.memref_slice %arg3[%mul3A_2] : memref<4096xi32, #tpu.memory_space<hbm>> -> memref<128xi32, #tpu.memory_space<hbm>>
    tpu.wait_dma2 semaphore(%arg26 : memref<!tpu.dma_semaphore, #tpu.memory_space<semaphore_mem>>) src(%dma_wait3A_10 : memref<128xi32, #tpu.memory_space<hbm>>) dst(%arg12 : memref<128xi32, #tpu.memory_space<vmem>>)
    %dma_wait3A_11 = tpu.memref_slice %arg4[%mul3A_2] : memref<4096xi32, #tpu.memory_space<hbm>> -> memref<128xi32, #tpu.memory_space<hbm>>
    %dma_wait3A_12 = tpu.memref_slice %arg4[%mul3A_2] : memref<4096xi32, #tpu.memory_space<hbm>> -> memref<128xi32, #tpu.memory_space<hbm>>
    tpu.wait_dma2 semaphore(%arg26 : memref<!tpu.dma_semaphore, #tpu.memory_space<semaphore_mem>>) src(%dma_wait3A_12 : memref<128xi32, #tpu.memory_space<hbm>>) dst(%arg14 : memref<128xi32, #tpu.memory_space<vmem>>)
    %dma_start3A_13 = arith.constant 0 : i32
    %dma_start3A_14 = arith.constant 0 : i32
    %dma_start3A_15 = tpu.memref_slice %arg27[%dma_start3A_13, %dma_start3A_14] : memref<128x64xf32, #tpu.memory_space<vmem>> -> memref<32x64xf32, #tpu.memory_space<vmem>>
    %dma_start3A_16 = arith.constant 0 : i32
    %dma_start3A_17 = tpu.memref_slice %arg16[%dma_start3A_16] : memref<128xi32, #tpu.memory_space<vmem>> -> memref<32xi32, #tpu.memory_space<vmem>>
    %dma_start3A_18 = arith.constant 0 : i32
    %dma_start3A_19 = arith.constant 0 : i32
    %dma_start3A_20 = tpu.memref_slice %arg6[%dma_start3A_18, %dma_start3A_19] : memref<4096x64xf32, #tpu.memory_space<hbm>> -> memref<4096x64xf32, #tpu.memory_space<hbm>>
    tpu.enqueue_indirect_dma source(%dma_start3A_20 : memref<4096x64xf32, #tpu.memory_space<hbm>>) target(%dma_start3A_15 : memref<32x64xf32, #tpu.memory_space<vmem>>) offsets(%dma_start3A_17 : memref<32xi32, #tpu.memory_space<vmem>>) semaphore(%arg22 : memref<!tpu.dma_semaphore, #tpu.memory_space<semaphore_mem>>)
    %dma_start3A_21 = arith.constant 0 : i32
    %dma_start3A_22 = arith.constant 0 : i32
    %dma_start3A_23 = tpu.memref_slice %arg10[%dma_start3A_21, %dma_start3A_22] : memref<128x64xf32, #tpu.memory_space<vmem>> -> memref<32x64xf32, #tpu.memory_space<vmem>>
    %dma_start3A_24 = arith.constant 0 : i32
    %dma_start3A_25 = tpu.memref_slice %arg12[%dma_start3A_24] : memref<128xi32, #tpu.memory_space<vmem>> -> memref<32xi32, #tpu.memory_space<vmem>>
    %dma_start3A_26 = arith.constant 0 : i32
    %dma_start3A_27 = arith.constant 0 : i32
    %dma_start3A_28 = tpu.memref_slice %arg7[%dma_start3A_26, %dma_start3A_27] : memref<8192x64xf32, #tpu.memory_space<hbm>> -> memref<8192x64xf32, #tpu.memory_space<hbm>>
    tpu.enqueue_indirect_dma source(%dma_start3A_28 : memref<8192x64xf32, #tpu.memory_space<hbm>>) target(%dma_start3A_23 : memref<32x64xf32, #tpu.memory_space<vmem>>) offsets(%dma_start3A_25 : memref<32xi32, #tpu.memory_space<vmem>>) semaphore(%arg22 : memref<!tpu.dma_semaphore, #tpu.memory_space<semaphore_mem>>)
    %dma_start3A_29 = arith.constant 0 : i32
    %dma_start3A_30 = arith.constant 0 : i32
    %dma_start3A_31 = tpu.memref_slice %arg11[%dma_start3A_29, %dma_start3A_30] : memref<128x64xf32, #tpu.memory_space<vmem>> -> memref<32x64xf32, #tpu.memory_space<vmem>>
    %dma_start3A_32 = arith.constant 0 : i32
    %dma_start3A_33 = tpu.memref_slice %arg14[%dma_start3A_32] : memref<128xi32, #tpu.memory_space<vmem>> -> memref<32xi32, #tpu.memory_space<vmem>>
    %dma_start3A_34 = arith.constant 0 : i32
    %dma_start3A_35 = arith.constant 0 : i32
    %dma_start3A_36 = tpu.memref_slice %arg7[%dma_start3A_34, %dma_start3A_35] : memref<8192x64xf32, #tpu.memory_space<hbm>> -> memref<8192x64xf32, #tpu.memory_space<hbm>>
    tpu.enqueue_indirect_dma source(%dma_start3A_36 : memref<8192x64xf32, #tpu.memory_space<hbm>>) target(%dma_start3A_31 : memref<32x64xf32, #tpu.memory_space<vmem>>) offsets(%dma_start3A_33 : memref<32xi32, #tpu.memory_space<vmem>>) semaphore(%arg22 : memref<!tpu.dma_semaphore, #tpu.memory_space<semaphore_mem>>)
    %dma_start3A_37 = arith.constant 32 : i32
    %dma_start3A_38 = arith.constant 0 : i32
    %dma_start3A_39 = tpu.memref_slice %arg27[%dma_start3A_37, %dma_start3A_38] : memref<128x64xf32, #tpu.memory_space<vmem>> -> memref<32x64xf32, #tpu.memory_space<vmem>>
    %dma_start3A_40 = arith.constant 32 : i32
    %dma_start3A_41 = tpu.memref_slice %arg16[%dma_start3A_40] : memref<128xi32, #tpu.memory_space<vmem>> -> memref<32xi32, #tpu.memory_space<vmem>>
    %dma_start3A_42 = arith.constant 0 : i32
    %dma_start3A_43 = arith.constant 0 : i32
    %dma_start3A_44 = tpu.memref_slice %arg6[%dma_start3A_42, %dma_start3A_43] : memref<4096x64xf32, #tpu.memory_space<hbm>> -> memref<4096x64xf32, #tpu.memory_space<hbm>>
    tpu.enqueue_indirect_dma source(%dma_start3A_44 : memref<4096x64xf32, #tpu.memory_space<hbm>>) target(%dma_start3A_39 : memref<32x64xf32, #tpu.memory_space<vmem>>) offsets(%dma_start3A_41 : memref<32xi32, #tpu.memory_space<vmem>>) semaphore(%arg23 : memref<!tpu.dma_semaphore, #tpu.memory_space<semaphore_mem>>)
    %dma_start3A_45 = arith.constant 32 : i32
    %dma_start3A_46 = arith.constant 0 : i32
    %dma_start3A_47 = tpu.memref_slice %arg10[%dma_start3A_45, %dma_start3A_46] : memref<128x64xf32, #tpu.memory_space<vmem>> -> memref<32x64xf32, #tpu.memory_space<vmem>>
    %dma_start3A_48 = arith.constant 32 : i32
    %dma_start3A_49 = tpu.memref_slice %arg12[%dma_start3A_48] : memref<128xi32, #tpu.memory_space<vmem>> -> memref<32xi32, #tpu.memory_space<vmem>>
    %dma_start3A_50 = arith.constant 0 : i32
    %dma_start3A_51 = arith.constant 0 : i32
    %dma_start3A_52 = tpu.memref_slice %arg7[%dma_start3A_50, %dma_start3A_51] : memref<8192x64xf32, #tpu.memory_space<hbm>> -> memref<8192x64xf32, #tpu.memory_space<hbm>>
    tpu.enqueue_indirect_dma source(%dma_start3A_52 : memref<8192x64xf32, #tpu.memory_space<hbm>>) target(%dma_start3A_47 : memref<32x64xf32, #tpu.memory_space<vmem>>) offsets(%dma_start3A_49 : memref<32xi32, #tpu.memory_space<vmem>>) semaphore(%arg23 : memref<!tpu.dma_semaphore, #tpu.memory_space<semaphore_mem>>)
    %dma_start3A_53 = arith.constant 32 : i32
    %dma_start3A_54 = arith.constant 0 : i32
    %dma_start3A_55 = tpu.memref_slice %arg11[%dma_start3A_53, %dma_start3A_54] : memref<128x64xf32, #tpu.memory_space<vmem>> -> memref<32x64xf32, #tpu.memory_space<vmem>>
    %dma_start3A_56 = arith.constant 32 : i32
    %dma_start3A_57 = tpu.memref_slice %arg14[%dma_start3A_56] : memref<128xi32, #tpu.memory_space<vmem>> -> memref<32xi32, #tpu.memory_space<vmem>>
    %dma_start3A_58 = arith.constant 0 : i32
    %dma_start3A_59 = arith.constant 0 : i32
    %dma_start3A_60 = tpu.memref_slice %arg7[%dma_start3A_58, %dma_start3A_59] : memref<8192x64xf32, #tpu.memory_space<hbm>> -> memref<8192x64xf32, #tpu.memory_space<hbm>>
    tpu.enqueue_indirect_dma source(%dma_start3A_60 : memref<8192x64xf32, #tpu.memory_space<hbm>>) target(%dma_start3A_55 : memref<32x64xf32, #tpu.memory_space<vmem>>) offsets(%dma_start3A_57 : memref<32xi32, #tpu.memory_space<vmem>>) semaphore(%arg23 : memref<!tpu.dma_semaphore, #tpu.memory_space<semaphore_mem>>)
    %dma_start3A_61 = arith.constant 64 : i32
    %dma_start3A_62 = arith.constant 0 : i32
    %dma_start3A_63 = tpu.memref_slice %arg27[%dma_start3A_61, %dma_start3A_62] : memref<128x64xf32, #tpu.memory_space<vmem>> -> memref<32x64xf32, #tpu.memory_space<vmem>>
    %dma_start3A_64 = arith.constant 64 : i32
    %dma_start3A_65 = tpu.memref_slice %arg16[%dma_start3A_64] : memref<128xi32, #tpu.memory_space<vmem>> -> memref<32xi32, #tpu.memory_space<vmem>>
    %dma_start3A_66 = arith.constant 0 : i32
    %dma_start3A_67 = arith.constant 0 : i32
    %dma_start3A_68 = tpu.memref_slice %arg6[%dma_start3A_66, %dma_start3A_67] : memref<4096x64xf32, #tpu.memory_space<hbm>> -> memref<4096x64xf32, #tpu.memory_space<hbm>>
    tpu.enqueue_indirect_dma source(%dma_start3A_68 : memref<4096x64xf32, #tpu.memory_space<hbm>>) target(%dma_start3A_63 : memref<32x64xf32, #tpu.memory_space<vmem>>) offsets(%dma_start3A_65 : memref<32xi32, #tpu.memory_space<vmem>>) semaphore(%arg24 : memref<!tpu.dma_semaphore, #tpu.memory_space<semaphore_mem>>)
    %dma_start3A_69 = arith.constant 64 : i32
    %dma_start3A_70 = arith.constant 0 : i32
    %dma_start3A_71 = tpu.memref_slice %arg10[%dma_start3A_69, %dma_start3A_70] : memref<128x64xf32, #tpu.memory_space<vmem>> -> memref<32x64xf32, #tpu.memory_space<vmem>>
    %dma_start3A_72 = arith.constant 64 : i32
    %dma_start3A_73 = tpu.memref_slice %arg12[%dma_start3A_72] : memref<128xi32, #tpu.memory_space<vmem>> -> memref<32xi32, #tpu.memory_space<vmem>>
    %dma_start3A_74 = arith.constant 0 : i32
    %dma_start3A_75 = arith.constant 0 : i32
    %dma_start3A_76 = tpu.memref_slice %arg7[%dma_start3A_74, %dma_start3A_75] : memref<8192x64xf32, #tpu.memory_space<hbm>> -> memref<8192x64xf32, #tpu.memory_space<hbm>>
    tpu.enqueue_indirect_dma source(%dma_start3A_76 : memref<8192x64xf32, #tpu.memory_space<hbm>>) target(%dma_start3A_71 : memref<32x64xf32, #tpu.memory_space<vmem>>) offsets(%dma_start3A_73 : memref<32xi32, #tpu.memory_space<vmem>>) semaphore(%arg24 : memref<!tpu.dma_semaphore, #tpu.memory_space<semaphore_mem>>)
    %dma_start3A_77 = arith.constant 64 : i32
    %dma_start3A_78 = arith.constant 0 : i32
    %dma_start3A_79 = tpu.memref_slice %arg11[%dma_start3A_77, %dma_start3A_78] : memref<128x64xf32, #tpu.memory_space<vmem>> -> memref<32x64xf32, #tpu.memory_space<vmem>>
    %dma_start3A_80 = arith.constant 64 : i32
    %dma_start3A_81 = tpu.memref_slice %arg14[%dma_start3A_80] : memref<128xi32, #tpu.memory_space<vmem>> -> memref<32xi32, #tpu.memory_space<vmem>>
    %dma_start3A_82 = arith.constant 0 : i32
    %dma_start3A_83 = arith.constant 0 : i32
    %dma_start3A_84 = tpu.memref_slice %arg7[%dma_start3A_82, %dma_start3A_83] : memref<8192x64xf32, #tpu.memory_space<hbm>> -> memref<8192x64xf32, #tpu.memory_space<hbm>>
    tpu.enqueue_indirect_dma source(%dma_start3A_84 : memref<8192x64xf32, #tpu.memory_space<hbm>>) target(%dma_start3A_79 : memref<32x64xf32, #tpu.memory_space<vmem>>) offsets(%dma_start3A_81 : memref<32xi32, #tpu.memory_space<vmem>>) semaphore(%arg24 : memref<!tpu.dma_semaphore, #tpu.memory_space<semaphore_mem>>)
    %dma_start3A_85 = arith.constant 96 : i32
    %dma_start3A_86 = arith.constant 0 : i32
    %dma_start3A_87 = tpu.memref_slice %arg27[%dma_start3A_85, %dma_start3A_86] : memref<128x64xf32, #tpu.memory_space<vmem>> -> memref<32x64xf32, #tpu.memory_space<vmem>>
    %dma_start3A_88 = arith.constant 96 : i32
    %dma_start3A_89 = tpu.memref_slice %arg16[%dma_start3A_88] : memref<128xi32, #tpu.memory_space<vmem>> -> memref<32xi32, #tpu.memory_space<vmem>>
    %dma_start3A_90 = arith.constant 0 : i32
    %dma_start3A_91 = arith.constant 0 : i32
    %dma_start3A_92 = tpu.memref_slice %arg6[%dma_start3A_90, %dma_start3A_91] : memref<4096x64xf32, #tpu.memory_space<hbm>> -> memref<4096x64xf32, #tpu.memory_space<hbm>>
    tpu.enqueue_indirect_dma source(%dma_start3A_92 : memref<4096x64xf32, #tpu.memory_space<hbm>>) target(%dma_start3A_87 : memref<32x64xf32, #tpu.memory_space<vmem>>) offsets(%dma_start3A_89 : memref<32xi32, #tpu.memory_space<vmem>>) semaphore(%arg25 : memref<!tpu.dma_semaphore, #tpu.memory_space<semaphore_mem>>)
    %dma_start3A_93 = arith.constant 96 : i32
    %dma_start3A_94 = arith.constant 0 : i32
    %dma_start3A_95 = tpu.memref_slice %arg10[%dma_start3A_93, %dma_start3A_94] : memref<128x64xf32, #tpu.memory_space<vmem>> -> memref<32x64xf32, #tpu.memory_space<vmem>>
    %dma_start3A_96 = arith.constant 96 : i32
    %dma_start3A_97 = tpu.memref_slice %arg12[%dma_start3A_96] : memref<128xi32, #tpu.memory_space<vmem>> -> memref<32xi32, #tpu.memory_space<vmem>>
    %dma_start3A_98 = arith.constant 0 : i32
    %dma_start3A_99 = arith.constant 0 : i32
    %dma_start3A_100 = tpu.memref_slice %arg7[%dma_start3A_98, %dma_start3A_99] : memref<8192x64xf32, #tpu.memory_space<hbm>> -> memref<8192x64xf32, #tpu.memory_space<hbm>>
    tpu.enqueue_indirect_dma source(%dma_start3A_100 : memref<8192x64xf32, #tpu.memory_space<hbm>>) target(%dma_start3A_95 : memref<32x64xf32, #tpu.memory_space<vmem>>) offsets(%dma_start3A_97 : memref<32xi32, #tpu.memory_space<vmem>>) semaphore(%arg25 : memref<!tpu.dma_semaphore, #tpu.memory_space<semaphore_mem>>)
    %dma_start3A_101 = arith.constant 96 : i32
    %dma_start3A_102 = arith.constant 0 : i32
    %dma_start3A_103 = tpu.memref_slice %arg11[%dma_start3A_101, %dma_start3A_102] : memref<128x64xf32, #tpu.memory_space<vmem>> -> memref<32x64xf32, #tpu.memory_space<vmem>>
    %dma_start3A_104 = arith.constant 96 : i32
    %dma_start3A_105 = tpu.memref_slice %arg14[%dma_start3A_104] : memref<128xi32, #tpu.memory_space<vmem>> -> memref<32xi32, #tpu.memory_space<vmem>>
    %dma_start3A_106 = arith.constant 0 : i32
    %dma_start3A_107 = arith.constant 0 : i32
    %dma_start3A_108 = tpu.memref_slice %arg7[%dma_start3A_106, %dma_start3A_107] : memref<8192x64xf32, #tpu.memory_space<hbm>> -> memref<8192x64xf32, #tpu.memory_space<hbm>>
    tpu.enqueue_indirect_dma source(%dma_start3A_108 : memref<8192x64xf32, #tpu.memory_space<hbm>>) target(%dma_start3A_103 : memref<32x64xf32, #tpu.memory_space<vmem>>) offsets(%dma_start3A_105 : memref<32xi32, #tpu.memory_space<vmem>>) semaphore(%arg25 : memref<!tpu.dma_semaphore, #tpu.memory_space<semaphore_mem>>)
    %broadcast_in_dim3A = arith.constant 4096 : i32
    %broadcast_in_dim3A_109 = vector.broadcast %broadcast_in_dim3A : i32 to vector<16xi32>
    %get3A = arith.constant 0 : index
    %get3A_110 = tpu.vector_load %arg12[%get3A] {strides = array<i32>} : memref<128xi32, #tpu.memory_space<vmem>>, vector<16xi32>,
    %add3A_111 = arith.addi %get3A_110, %broadcast_in_dim3A_109 : vector<16xi32>
    %swap3A = arith.constant 0 : index
    %swap3A_112 = tpu.vector_load %arg13[%swap3A] {strides = array<i32>} : memref<128xi32, #tpu.memory_space<vmem>>, vector<16xi32>,
    tpu.vector_store %arg13[%swap3A], %add3A_111 {strides = array<i32>} : memref<128xi32, #tpu.memory_space<vmem>>, vector<16xi32>,
    %get3A_113 = arith.constant 0 : index
    %get3A_114 = tpu.vector_load %arg14[%get3A_113] {strides = array<i32>} : memref<128xi32, #tpu.memory_space<vmem>>, vector<16xi32>,
    %add3A_115 = arith.addi %get3A_114, %broadcast_in_dim3A_109 : vector<16xi32>
    %swap3A_116 = arith.constant 0 : index
    %swap3A_117 = tpu.vector_load %arg15[%swap3A_116] {strides = array<i32>} : memref<128xi32, #tpu.memory_space<vmem>>, vector<16xi32>,
    tpu.vector_store %arg15[%swap3A_116], %add3A_115 {strides = array<i32>} : memref<128xi32, #tpu.memory_space<vmem>>, vector<16xi32>,
    %get3A_118 = arith.constant 16 : index
    %get3A_119 = tpu.vector_load %arg12[%get3A_118] {strides = array<i32>} : memref<128xi32, #tpu.memory_space<vmem>>, vector<16xi32>,
    %add3A_120 = arith.addi %get3A_119, %broadcast_in_dim3A_109 : vector<16xi32>
    %swap3A_121 = arith.constant 16 : index
    %swap3A_122 = tpu.vector_load %arg13[%swap3A_121] {strides = array<i32>} : memref<128xi32, #tpu.memory_space<vmem>>, vector<16xi32>,
    tpu.vector_store %arg13[%swap3A_121], %add3A_120 {strides = array<i32>} : memref<128xi32, #tpu.memory_space<vmem>>, vector<16xi32>,
    %get3A_123 = arith.constant 16 : index
    %get3A_124 = tpu.vector_load %arg14[%get3A_123] {strides = array<i32>} : memref<128xi32, #tpu.memory_space<vmem>>, vector<16xi32>,
    %add3A_125 = arith.addi %get3A_124, %broadcast_in_dim3A_109 : vector<16xi32>
    %swap3A_126 = arith.constant 16 : index
    %swap3A_127 = tpu.vector_load %arg15[%swap3A_126] {strides = array<i32>} : memref<128xi32, #tpu.memory_space<vmem>>, vector<16xi32>,
    tpu.vector_store %arg15[%swap3A_126], %add3A_125 {strides = array<i32>} : memref<128xi32, #tpu.memory_space<vmem>>, vector<16xi32>,
    %get3A_128 = arith.constant 32 : index
    %get3A_129 = tpu.vector_load %arg12[%get3A_128] {strides = array<i32>} : memref<128xi32, #tpu.memory_space<vmem>>, vector<16xi32>,
    %add3A_130 = arith.addi %get3A_129, %broadcast_in_dim3A_109 : vector<16xi32>
    %swap3A_131 = arith.constant 32 : index
    %swap3A_132 = tpu.vector_load %arg13[%swap3A_131] {strides = array<i32>} : memref<128xi32, #tpu.memory_space<vmem>>, vector<16xi32>,
    tpu.vector_store %arg13[%swap3A_131], %add3A_130 {strides = array<i32>} : memref<128xi32, #tpu.memory_space<vmem>>, vector<16xi32>,
    %get3A_133 = arith.constant 32 : index
    %get3A_134 = tpu.vector_load %arg14[%get3A_133] {strides = array<i32>} : memref<128xi32, #tpu.memory_space<vmem>>, vector<16xi32>,
    %add3A_135 = arith.addi %get3A_134, %broadcast_in_dim3A_109 : vector<16xi32>
    %swap3A_136 = arith.constant 32 : index
    %swap3A_137 = tpu.vector_load %arg15[%swap3A_136] {strides = array<i32>} : memref<128xi32, #tpu.memory_space<vmem>>, vector<16xi32>,
    tpu.vector_store %arg15[%swap3A_136], %add3A_135 {strides = array<i32>} : memref<128xi32, #tpu.memory_space<vmem>>, vector<16xi32>,
    %get3A_138 = arith.constant 48 : index
    %get3A_139 = tpu.vector_load %arg12[%get3A_138] {strides = array<i32>} : memref<128xi32, #tpu.memory_space<vmem>>, vector<16xi32>,
    %add3A_140 = arith.addi %get3A_139, %broadcast_in_dim3A_109 : vector<16xi32>
    %swap3A_141 = arith.constant 48 : index
    %swap3A_142 = tpu.vector_load %arg13[%swap3A_141] {strides = array<i32>} : memref<128xi32, #tpu.memory_space<vmem>>, vector<16xi32>,
    tpu.vector_store %arg13[%swap3A_141], %add3A_140 {strides = array<i32>} : memref<128xi32, #tpu.memory_space<vmem>>, vector<16xi32>,
    %get3A_143 = arith.constant 48 : index
    %get3A_144 = tpu.vector_load %arg14[%get3A_143] {strides = array<i32>} : memref<128xi32, #tpu.memory_space<vmem>>, vector<16xi32>,
    %add3A_145 = arith.addi %get3A_144, %broadcast_in_dim3A_109 : vector<16xi32>
    %swap3A_146 = arith.constant 48 : index
    %swap3A_147 = tpu.vector_load %arg15[%swap3A_146] {strides = array<i32>} : memref<128xi32, #tpu.memory_space<vmem>>, vector<16xi32>,
    tpu.vector_store %arg15[%swap3A_146], %add3A_145 {strides = array<i32>} : memref<128xi32, #tpu.memory_space<vmem>>, vector<16xi32>,
    %get3A_148 = arith.constant 64 : index
    %get3A_149 = tpu.vector_load %arg12[%get3A_148] {strides = array<i32>} : memref<128xi32, #tpu.memory_space<vmem>>, vector<16xi32>,
    %add3A_150 = arith.addi %get3A_149, %broadcast_in_dim3A_109 : vector<16xi32>
    %swap3A_151 = arith.constant 64 : index
    %swap3A_152 = tpu.vector_load %arg13[%swap3A_151] {strides = array<i32>} : memref<128xi32, #tpu.memory_space<vmem>>, vector<16xi32>,
    tpu.vector_store %arg13[%swap3A_151], %add3A_150 {strides = array<i32>} : memref<128xi32, #tpu.memory_space<vmem>>, vector<16xi32>,
    %get3A_153 = arith.constant 64 : index
    %get3A_154 = tpu.vector_load %arg14[%get3A_153] {strides = array<i32>} : memref<128xi32, #tpu.memory_space<vmem>>, vector<16xi32>,
    %add3A_155 = arith.addi %get3A_154, %broadcast_in_dim3A_109 : vector<16xi32>
    %swap3A_156 = arith.constant 64 : index
    %swap3A_157 = tpu.vector_load %arg15[%swap3A_156] {strides = array<i32>} : memref<128xi32, #tpu.memory_space<vmem>>, vector<16xi32>,
    tpu.vector_store %arg15[%swap3A_156], %add3A_155 {strides = array<i32>} : memref<128xi32, #tpu.memory_space<vmem>>, vector<16xi32>,
    %get3A_158 = arith.constant 80 : index
    %get3A_159 = tpu.vector_load %arg12[%get3A_158] {strides = array<i32>} : memref<128xi32, #tpu.memory_space<vmem>>, vector<16xi32>,
    %add3A_160 = arith.addi %get3A_159, %broadcast_in_dim3A_109 : vector<16xi32>
    %swap3A_161 = arith.constant 80 : index
    %swap3A_162 = tpu.vector_load %arg13[%swap3A_161] {strides = array<i32>} : memref<128xi32, #tpu.memory_space<vmem>>, vector<16xi32>,
    tpu.vector_store %arg13[%swap3A_161], %add3A_160 {strides = array<i32>} : memref<128xi32, #tpu.memory_space<vmem>>, vector<16xi32>,
    %get3A_163 = arith.constant 80 : index
    %get3A_164 = tpu.vector_load %arg14[%get3A_163] {strides = array<i32>} : memref<128xi32, #tpu.memory_space<vmem>>, vector<16xi32>,
    %add3A_165 = arith.addi %get3A_164, %broadcast_in_dim3A_109 : vector<16xi32>
    %swap3A_166 = arith.constant 80 : index
    %swap3A_167 = tpu.vector_load %arg15[%swap3A_166] {strides = array<i32>} : memref<128xi32, #tpu.memory_space<vmem>>, vector<16xi32>,
    tpu.vector_store %arg15[%swap3A_166], %add3A_165 {strides = array<i32>} : memref<128xi32, #tpu.memory_space<vmem>>, vector<16xi32>,
    %get3A_168 = arith.constant 96 : index
    %get3A_169 = tpu.vector_load %arg12[%get3A_168] {strides = array<i32>} : memref<128xi32, #tpu.memory_space<vmem>>, vector<16xi32>,
    %add3A_170 = arith.addi %get3A_169, %broadcast_in_dim3A_109 : vector<16xi32>
    %swap3A_171 = arith.constant 96 : index
    %swap3A_172 = tpu.vector_load %arg13[%swap3A_171] {strides = array<i32>} : memref<128xi32, #tpu.memory_space<vmem>>, vector<16xi32>,
    tpu.vector_store %arg13[%swap3A_171], %add3A_170 {strides = array<i32>} : memref<128xi32, #tpu.memory_space<vmem>>, vector<16xi32>,
    %get3A_173 = arith.constant 96 : index
    %get3A_174 = tpu.vector_load %arg14[%get3A_173] {strides = array<i32>} : memref<128xi32, #tpu.memory_space<vmem>>, vector<16xi32>,
    %add3A_175 = arith.addi %get3A_174, %broadcast_in_dim3A_109 : vector<16xi32>
    %swap3A_176 = arith.constant 96 : index
    %swap3A_177 = tpu.vector_load %arg15[%swap3A_176] {strides = array<i32>} : memref<128xi32, #tpu.memory_space<vmem>>, vector<16xi32>,
    tpu.vector_store %arg15[%swap3A_176], %add3A_175 {strides = array<i32>} : memref<128xi32, #tpu.memory_space<vmem>>, vector<16xi32>,
    %get3A_178 = arith.constant 112 : index
    %get3A_179 = tpu.vector_load %arg12[%get3A_178] {strides = array<i32>} : memref<128xi32, #tpu.memory_space<vmem>>, vector<16xi32>,
    %add3A_180 = arith.addi %get3A_179, %broadcast_in_dim3A_109 : vector<16xi32>
    %swap3A_181 = arith.constant 112 : index
    %swap3A_182 = tpu.vector_load %arg13[%swap3A_181] {strides = array<i32>} : memref<128xi32, #tpu.memory_space<vmem>>, vector<16xi32>,
    tpu.vector_store %arg13[%swap3A_181], %add3A_180 {strides = array<i32>} : memref<128xi32, #tpu.memory_space<vmem>>, vector<16xi32>,
    %get3A_183 = arith.constant 112 : index
    %get3A_184 = tpu.vector_load %arg14[%get3A_183] {strides = array<i32>} : memref<128xi32, #tpu.memory_space<vmem>>, vector<16xi32>,
    %add3A_185 = arith.addi %get3A_184, %broadcast_in_dim3A_109 : vector<16xi32>
    %swap3A_186 = arith.constant 112 : index
    %swap3A_187 = tpu.vector_load %arg15[%swap3A_186] {strides = array<i32>} : memref<128xi32, #tpu.memory_space<vmem>>, vector<16xi32>,
    tpu.vector_store %arg15[%swap3A_186], %add3A_185 {strides = array<i32>} : memref<128xi32, #tpu.memory_space<vmem>>, vector<16xi32>,
    %dma_start3A_188 = arith.constant 0 : i32
    %dma_start3A_189 = tpu.memref_slice %arg5[%dma_start3A_188] : memref<12288xf32, #tpu.memory_space<hbm>> -> memref<12288xf32, #tpu.memory_space<hbm>>
    tpu.enqueue_indirect_dma source(%dma_start3A_189 : memref<12288xf32, #tpu.memory_space<hbm>>) target(%arg19 : memref<128xf32, #tpu.memory_space<vmem>>) offsets(%arg16 : memref<128xi32, #tpu.memory_space<vmem>>) semaphore(%arg26 : memref<!tpu.dma_semaphore, #tpu.memory_space<semaphore_mem>>)
    %dma_start3A_190 = arith.constant 0 : i32
    %dma_start3A_191 = tpu.memref_slice %arg5[%dma_start3A_190] : memref<12288xf32, #tpu.memory_space<hbm>> -> memref<12288xf32, #tpu.memory_space<hbm>>
    tpu.enqueue_indirect_dma source(%dma_start3A_191 : memref<12288xf32, #tpu.memory_space<hbm>>) target(%arg17 : memref<128xf32, #tpu.memory_space<vmem>>) offsets(%arg13 : memref<128xi32, #tpu.memory_space<vmem>>) semaphore(%arg26 : memref<!tpu.dma_semaphore, #tpu.memory_space<semaphore_mem>>)
    %dma_start3A_192 = arith.constant 0 : i32
    %dma_start3A_193 = tpu.memref_slice %arg5[%dma_start3A_192] : memref<12288xf32, #tpu.memory_space<hbm>> -> memref<12288xf32, #tpu.memory_space<hbm>>
    tpu.enqueue_indirect_dma source(%dma_start3A_193 : memref<12288xf32, #tpu.memory_space<hbm>>) target(%arg18 : memref<128xf32, #tpu.memory_space<vmem>>) offsets(%arg15 : memref<128xi32, #tpu.memory_space<vmem>>) semaphore(%arg26 : memref<!tpu.dma_semaphore, #tpu.memory_space<semaphore_mem>>)
    %iota3A = tpu.iota {dimensions = array<i32: 0>} : vector<16xi32>
    %broadcast_in_dim3A_194 = arith.constant 15 : i32
    %broadcast_in_dim3A_195 = vector.broadcast %broadcast_in_dim3A_194 : i32 to vector<16xi32>
    %eq3A = arith.cmpi eq, %iota3A, %broadcast_in_dim3A_195 : vector<16xi32>
    %dma_wait3A_196 = arith.constant 0 : i32
    %dma_wait3A_197 = arith.constant 0 : i32
    %dma_wait3A_198 = tpu.memref_slice %arg27[%dma_wait3A_196, %dma_wait3A_197] : memref<128x64xf32, #tpu.memory_space<vmem>> -> memref<32x64xf32, #tpu.memory_space<vmem>>
    %dma_wait3A_199 = arith.constant 0 : i32
    %dma_wait3A_200 = tpu.memref_slice %arg16[%dma_wait3A_199] : memref<128xi32, #tpu.memory_space<vmem>> -> memref<32xi32, #tpu.memory_space<vmem>>
    %dma_wait3A_201 = arith.constant 0 : i32
    %dma_wait3A_202 = arith.constant 0 : i32
    %dma_wait3A_203 = tpu.memref_slice %arg6[%dma_wait3A_201, %dma_wait3A_202] : memref<4096x64xf32, #tpu.memory_space<hbm>> -> memref<4096x64xf32, #tpu.memory_space<hbm>>
    tpu.wait_indirect_dma semaphore(%arg22 : memref<!tpu.dma_semaphore, #tpu.memory_space<semaphore_mem>>) src(%dma_wait3A_203 : memref<4096x64xf32, #tpu.memory_space<hbm>>) dst(%dma_wait3A_198 : memref<32x64xf32, #tpu.memory_space<vmem>>)
    %dma_wait3A_204 = arith.constant 0 : i32
    %dma_wait3A_205 = arith.constant 0 : i32
    %dma_wait3A_206 = tpu.memref_slice %arg10[%dma_wait3A_204, %dma_wait3A_205] : memref<128x64xf32, #tpu.memory_space<vmem>> -> memref<32x64xf32, #tpu.memory_space<vmem>>
    %dma_wait3A_207 = arith.constant 0 : i32
    %dma_wait3A_208 = tpu.memref_slice %arg12[%dma_wait3A_207] : memref<128xi32, #tpu.memory_space<vmem>> -> memref<32xi32, #tpu.memory_space<vmem>>
    %dma_wait3A_209 = arith.constant 0 : i32
    %dma_wait3A_210 = arith.constant 0 : i32
    %dma_wait3A_211 = tpu.memref_slice %arg7[%dma_wait3A_209, %dma_wait3A_210] : memref<8192x64xf32, #tpu.memory_space<hbm>> -> memref<8192x64xf32, #tpu.memory_space<hbm>>
    tpu.wait_indirect_dma semaphore(%arg22 : memref<!tpu.dma_semaphore, #tpu.memory_space<semaphore_mem>>) src(%dma_wait3A_211 : memref<8192x64xf32, #tpu.memory_space<hbm>>) dst(%dma_wait3A_206 : memref<32x64xf32, #tpu.memory_space<vmem>>)
    %dma_wait3A_212 = arith.constant 0 : i32
    %dma_wait3A_213 = arith.constant 0 : i32
    %dma_wait3A_214 = tpu.memref_slice %arg11[%dma_wait3A_212, %dma_wait3A_213] : memref<128x64xf32, #tpu.memory_space<vmem>> -> memref<32x64xf32, #tpu.memory_space<vmem>>
    %dma_wait3A_215 = arith.constant 0 : i32
    %dma_wait3A_216 = tpu.memref_slice %arg14[%dma_wait3A_215] : memref<128xi32, #tpu.memory_space<vmem>> -> memref<32xi32, #tpu.memory_space<vmem>>
    %dma_wait3A_217 = arith.constant 0 : i32
    %dma_wait3A_218 = arith.constant 0 : i32
    %dma_wait3A_219 = tpu.memref_slice %arg7[%dma_wait3A_217, %dma_wait3A_218] : memref<8192x64xf32, #tpu.memory_space<hbm>> -> memref<8192x64xf32, #tpu.memory_space<hbm>>
    tpu.wait_indirect_dma semaphore(%arg22 : memref<!tpu.dma_semaphore, #tpu.memory_space<semaphore_mem>>) src(%dma_wait3A_219 : memref<8192x64xf32, #tpu.memory_space<hbm>>) dst(%dma_wait3A_214 : memref<32x64xf32, #tpu.memory_space<vmem>>)
    %parallel_loop3A = arith.constant 0 : i32
    %parallel_loop3A_220 = arith.constant 32 : i32
    %parallel_loop3A_221 = arith.constant 1 : i32
    scf.for %parallel_loop3A_479 = %parallel_loop3A to %parallel_loop3A_220 step %parallel_loop3A_221  : i32 {
      %parallel_loop3A_480 = arith.index_cast %parallel_loop3A_479 : i32 to index
      %parallel_loop3A_481 = arith.constant 0 : index
      %parallel_loop3A_482 = tpu.vector_load %arg27[%parallel_loop3A_480, %parallel_loop3A_481] {strides = array<i32>} : memref<128x64xf32, #tpu.memory_space<vmem>>, vector<16xf32>,
      %parallel_loop3A_483 = arith.index_cast %parallel_loop3A_479 : i32 to index
      %parallel_loop3A_484 = arith.constant 0 : index
      %parallel_loop3A_485 = tpu.vector_load %arg10[%parallel_loop3A_483, %parallel_loop3A_484] {strides = array<i32>} : memref<128x64xf32, #tpu.memory_space<vmem>>, vector<16xf32>,
      %parallel_loop3A_486 = arith.index_cast %parallel_loop3A_479 : i32 to index
      %parallel_loop3A_487 = arith.constant 0 : index
      %parallel_loop3A_488 = tpu.vector_load %arg11[%parallel_loop3A_486, %parallel_loop3A_487] {strides = array<i32>} : memref<128x64xf32, #tpu.memory_space<vmem>>, vector<16xf32>,
      %parallel_loop3A_489 = arith.mulf %parallel_loop3A_482, %parallel_loop3A_485 : vector<16xf32>
      %parallel_loop3A_490 = arith.mulf %parallel_loop3A_482, %parallel_loop3A_488 : vector<16xf32>
      %parallel_loop3A_491 = arith.index_cast %parallel_loop3A_479 : i32 to index
      %parallel_loop3A_492 = arith.constant 16 : index
      %parallel_loop3A_493 = tpu.vector_load %arg27[%parallel_loop3A_491, %parallel_loop3A_492] {strides = array<i32>} : memref<128x64xf32, #tpu.memory_space<vmem>>, vector<16xf32>,
      %parallel_loop3A_494 = arith.index_cast %parallel_loop3A_479 : i32 to index
      %parallel_loop3A_495 = arith.constant 16 : index
      %parallel_loop3A_496 = tpu.vector_load %arg10[%parallel_loop3A_494, %parallel_loop3A_495] {strides = array<i32>} : memref<128x64xf32, #tpu.memory_space<vmem>>, vector<16xf32>,
      %parallel_loop3A_497 = arith.index_cast %parallel_loop3A_479 : i32 to index
      %parallel_loop3A_498 = arith.constant 16 : index
      %parallel_loop3A_499 = tpu.vector_load %arg11[%parallel_loop3A_497, %parallel_loop3A_498] {strides = array<i32>} : memref<128x64xf32, #tpu.memory_space<vmem>>, vector<16xf32>,
      %parallel_loop3A_500 = arith.mulf %parallel_loop3A_493, %parallel_loop3A_496 : vector<16xf32>
      %parallel_loop3A_501 = arith.addf %parallel_loop3A_489, %parallel_loop3A_500 : vector<16xf32>
      %parallel_loop3A_502 = arith.mulf %parallel_loop3A_493, %parallel_loop3A_499 : vector<16xf32>
      %parallel_loop3A_503 = arith.addf %parallel_loop3A_490, %parallel_loop3A_502 : vector<16xf32>
      %parallel_loop3A_504 = arith.index_cast %parallel_loop3A_479 : i32 to index
      %parallel_loop3A_505 = arith.constant 32 : index
      %parallel_loop3A_506 = tpu.vector_load %arg27[%parallel_loop3A_504, %parallel_loop3A_505] {strides = array<i32>} : memref<128x64xf32, #tpu.memory_space<vmem>>, vector<16xf32>,
      %parallel_loop3A_507 = arith.index_cast %parallel_loop3A_479 : i32 to index
      %parallel_loop3A_508 = arith.constant 32 : index
      %parallel_loop3A_509 = tpu.vector_load %arg10[%parallel_loop3A_507, %parallel_loop3A_508] {strides = array<i32>} : memref<128x64xf32, #tpu.memory_space<vmem>>, vector<16xf32>,
      %parallel_loop3A_510 = arith.index_cast %parallel_loop3A_479 : i32 to index
      %parallel_loop3A_511 = arith.constant 32 : index
      %parallel_loop3A_512 = tpu.vector_load %arg11[%parallel_loop3A_510, %parallel_loop3A_511] {strides = array<i32>} : memref<128x64xf32, #tpu.memory_space<vmem>>, vector<16xf32>,
      %parallel_loop3A_513 = arith.mulf %parallel_loop3A_506, %parallel_loop3A_509 : vector<16xf32>
      %parallel_loop3A_514 = arith.addf %parallel_loop3A_501, %parallel_loop3A_513 : vector<16xf32>
      %parallel_loop3A_515 = arith.mulf %parallel_loop3A_506, %parallel_loop3A_512 : vector<16xf32>
      %parallel_loop3A_516 = arith.addf %parallel_loop3A_503, %parallel_loop3A_515 : vector<16xf32>
      %parallel_loop3A_517 = arith.index_cast %parallel_loop3A_479 : i32 to index
      %parallel_loop3A_518 = arith.constant 48 : index
      %parallel_loop3A_519 = tpu.vector_load %arg27[%parallel_loop3A_517, %parallel_loop3A_518] {strides = array<i32>} : memref<128x64xf32, #tpu.memory_space<vmem>>, vector<16xf32>,
      %parallel_loop3A_520 = arith.index_cast %parallel_loop3A_479 : i32 to index
      %parallel_loop3A_521 = arith.constant 48 : index
      %parallel_loop3A_522 = tpu.vector_load %arg10[%parallel_loop3A_520, %parallel_loop3A_521] {strides = array<i32>} : memref<128x64xf32, #tpu.memory_space<vmem>>, vector<16xf32>,
      %parallel_loop3A_523 = arith.index_cast %parallel_loop3A_479 : i32 to index
      %parallel_loop3A_524 = arith.constant 48 : index
      %parallel_loop3A_525 = tpu.vector_load %arg11[%parallel_loop3A_523, %parallel_loop3A_524] {strides = array<i32>} : memref<128x64xf32, #tpu.memory_space<vmem>>, vector<16xf32>,
      %parallel_loop3A_526 = arith.mulf %parallel_loop3A_519, %parallel_loop3A_522 : vector<16xf32>
      %parallel_loop3A_527 = arith.addf %parallel_loop3A_514, %parallel_loop3A_526 : vector<16xf32>
      %parallel_loop3A_528 = arith.mulf %parallel_loop3A_519, %parallel_loop3A_525 : vector<16xf32>
      %parallel_loop3A_529 = arith.addf %parallel_loop3A_516, %parallel_loop3A_528 : vector<16xf32>
      %parallel_loop3A_530 = vector.broadcast %parallel_loop3A_479 : i32 to vector<16xi32>
      %parallel_loop3A_531 = arith.constant true
      %parallel_loop3A_532 = vector.broadcast %parallel_loop3A_531 : i1 to vector<16xi1>
      %parallel_loop3A_533 = tpu.scan <sum>, %parallel_loop3A_527 masked %parallel_loop3A_532 : vector<16xf32>, vector<16xi1> -> vector<16xf32>
      tpu.vector_store_idx %arg20[%parallel_loop3A_530], %parallel_loop3A_533 masked %eq3A : memref<128xf32, #tpu.memory_space<vmem>>[vector<16xi32>], vector<16xf32>, vector<16xi1>
      %parallel_loop3A_534 = arith.constant true
      %parallel_loop3A_535 = vector.broadcast %parallel_loop3A_534 : i1 to vector<16xi1>
      %parallel_loop3A_536 = tpu.scan <sum>, %parallel_loop3A_529 masked %parallel_loop3A_535 : vector<16xf32>, vector<16xi1> -> vector<16xf32>
      tpu.vector_store_idx %arg21[%parallel_loop3A_530], %parallel_loop3A_536 masked %eq3A : memref<128xf32, #tpu.memory_space<vmem>>[vector<16xi32>], vector<16xf32>, vector<16xi1>
    } {sc.loop_unroll_factor = 4 : i64, sc.parallel_access}
    %dma_wait3A_222 = arith.constant 32 : i32
    %dma_wait3A_223 = arith.constant 0 : i32
    %dma_wait3A_224 = tpu.memref_slice %arg27[%dma_wait3A_222, %dma_wait3A_223] : memref<128x64xf32, #tpu.memory_space<vmem>> -> memref<32x64xf32, #tpu.memory_space<vmem>>
    %dma_wait3A_225 = arith.constant 32 : i32
    %dma_wait3A_226 = tpu.memref_slice %arg16[%dma_wait3A_225] : memref<128xi32, #tpu.memory_space<vmem>> -> memref<32xi32, #tpu.memory_space<vmem>>
    %dma_wait3A_227 = arith.constant 0 : i32
    %dma_wait3A_228 = arith.constant 0 : i32
    %dma_wait3A_229 = tpu.memref_slice %arg6[%dma_wait3A_227, %dma_wait3A_228] : memref<4096x64xf32, #tpu.memory_space<hbm>> -> memref<4096x64xf32, #tpu.memory_space<hbm>>
    tpu.wait_indirect_dma semaphore(%arg23 : memref<!tpu.dma_semaphore, #tpu.memory_space<semaphore_mem>>) src(%dma_wait3A_229 : memref<4096x64xf32, #tpu.memory_space<hbm>>) dst(%dma_wait3A_224 : memref<32x64xf32, #tpu.memory_space<vmem>>)
    %dma_wait3A_230 = arith.constant 32 : i32
    %dma_wait3A_231 = arith.constant 0 : i32
    %dma_wait3A_232 = tpu.memref_slice %arg10[%dma_wait3A_230, %dma_wait3A_231] : memref<128x64xf32, #tpu.memory_space<vmem>> -> memref<32x64xf32, #tpu.memory_space<vmem>>
    %dma_wait3A_233 = arith.constant 32 : i32
    %dma_wait3A_234 = tpu.memref_slice %arg12[%dma_wait3A_233] : memref<128xi32, #tpu.memory_space<vmem>> -> memref<32xi32, #tpu.memory_space<vmem>>
    %dma_wait3A_235 = arith.constant 0 : i32
    %dma_wait3A_236 = arith.constant 0 : i32
    %dma_wait3A_237 = tpu.memref_slice %arg7[%dma_wait3A_235, %dma_wait3A_236] : memref<8192x64xf32, #tpu.memory_space<hbm>> -> memref<8192x64xf32, #tpu.memory_space<hbm>>
    tpu.wait_indirect_dma semaphore(%arg23 : memref<!tpu.dma_semaphore, #tpu.memory_space<semaphore_mem>>) src(%dma_wait3A_237 : memref<8192x64xf32, #tpu.memory_space<hbm>>) dst(%dma_wait3A_232 : memref<32x64xf32, #tpu.memory_space<vmem>>)
    %dma_wait3A_238 = arith.constant 32 : i32
    %dma_wait3A_239 = arith.constant 0 : i32
    %dma_wait3A_240 = tpu.memref_slice %arg11[%dma_wait3A_238, %dma_wait3A_239] : memref<128x64xf32, #tpu.memory_space<vmem>> -> memref<32x64xf32, #tpu.memory_space<vmem>>
    %dma_wait3A_241 = arith.constant 32 : i32
    %dma_wait3A_242 = tpu.memref_slice %arg14[%dma_wait3A_241] : memref<128xi32, #tpu.memory_space<vmem>> -> memref<32xi32, #tpu.memory_space<vmem>>
    %dma_wait3A_243 = arith.constant 0 : i32
    %dma_wait3A_244 = arith.constant 0 : i32
    %dma_wait3A_245 = tpu.memref_slice %arg7[%dma_wait3A_243, %dma_wait3A_244] : memref<8192x64xf32, #tpu.memory_space<hbm>> -> memref<8192x64xf32, #tpu.memory_space<hbm>>
    tpu.wait_indirect_dma semaphore(%arg23 : memref<!tpu.dma_semaphore, #tpu.memory_space<semaphore_mem>>) src(%dma_wait3A_245 : memref<8192x64xf32, #tpu.memory_space<hbm>>) dst(%dma_wait3A_240 : memref<32x64xf32, #tpu.memory_space<vmem>>)
    %parallel_loop3A_246 = arith.constant 32 : i32
    %parallel_loop3A_247 = arith.constant 64 : i32
    %parallel_loop3A_248 = arith.constant 1 : i32
    scf.for %parallel_loop3A_479 = %parallel_loop3A_246 to %parallel_loop3A_247 step %parallel_loop3A_248  : i32 {
      %parallel_loop3A_480 = arith.index_cast %parallel_loop3A_479 : i32 to index
      %parallel_loop3A_481 = arith.constant 0 : index
      %parallel_loop3A_482 = tpu.vector_load %arg27[%parallel_loop3A_480, %parallel_loop3A_481] {strides = array<i32>} : memref<128x64xf32, #tpu.memory_space<vmem>>, vector<16xf32>,
      %parallel_loop3A_483 = arith.index_cast %parallel_loop3A_479 : i32 to index
      %parallel_loop3A_484 = arith.constant 0 : index
      %parallel_loop3A_485 = tpu.vector_load %arg10[%parallel_loop3A_483, %parallel_loop3A_484] {strides = array<i32>} : memref<128x64xf32, #tpu.memory_space<vmem>>, vector<16xf32>,
      %parallel_loop3A_486 = arith.index_cast %parallel_loop3A_479 : i32 to index
      %parallel_loop3A_487 = arith.constant 0 : index
      %parallel_loop3A_488 = tpu.vector_load %arg11[%parallel_loop3A_486, %parallel_loop3A_487] {strides = array<i32>} : memref<128x64xf32, #tpu.memory_space<vmem>>, vector<16xf32>,
      %parallel_loop3A_489 = arith.mulf %parallel_loop3A_482, %parallel_loop3A_485 : vector<16xf32>
      %parallel_loop3A_490 = arith.mulf %parallel_loop3A_482, %parallel_loop3A_488 : vector<16xf32>
      %parallel_loop3A_491 = arith.index_cast %parallel_loop3A_479 : i32 to index
      %parallel_loop3A_492 = arith.constant 16 : index
      %parallel_loop3A_493 = tpu.vector_load %arg27[%parallel_loop3A_491, %parallel_loop3A_492] {strides = array<i32>} : memref<128x64xf32, #tpu.memory_space<vmem>>, vector<16xf32>,
      %parallel_loop3A_494 = arith.index_cast %parallel_loop3A_479 : i32 to index
      %parallel_loop3A_495 = arith.constant 16 : index
      %parallel_loop3A_496 = tpu.vector_load %arg10[%parallel_loop3A_494, %parallel_loop3A_495] {strides = array<i32>} : memref<128x64xf32, #tpu.memory_space<vmem>>, vector<16xf32>,
      %parallel_loop3A_497 = arith.index_cast %parallel_loop3A_479 : i32 to index
      %parallel_loop3A_498 = arith.constant 16 : index
      %parallel_loop3A_499 = tpu.vector_load %arg11[%parallel_loop3A_497, %parallel_loop3A_498] {strides = array<i32>} : memref<128x64xf32, #tpu.memory_space<vmem>>, vector<16xf32>,
      %parallel_loop3A_500 = arith.mulf %parallel_loop3A_493, %parallel_loop3A_496 : vector<16xf32>
      %parallel_loop3A_501 = arith.addf %parallel_loop3A_489, %parallel_loop3A_500 : vector<16xf32>
      %parallel_loop3A_502 = arith.mulf %parallel_loop3A_493, %parallel_loop3A_499 : vector<16xf32>
      %parallel_loop3A_503 = arith.addf %parallel_loop3A_490, %parallel_loop3A_502 : vector<16xf32>
      %parallel_loop3A_504 = arith.index_cast %parallel_loop3A_479 : i32 to index
      %parallel_loop3A_505 = arith.constant 32 : index
      %parallel_loop3A_506 = tpu.vector_load %arg27[%parallel_loop3A_504, %parallel_loop3A_505] {strides = array<i32>} : memref<128x64xf32, #tpu.memory_space<vmem>>, vector<16xf32>,
      %parallel_loop3A_507 = arith.index_cast %parallel_loop3A_479 : i32 to index
      %parallel_loop3A_508 = arith.constant 32 : index
      %parallel_loop3A_509 = tpu.vector_load %arg10[%parallel_loop3A_507, %parallel_loop3A_508] {strides = array<i32>} : memref<128x64xf32, #tpu.memory_space<vmem>>, vector<16xf32>,
      %parallel_loop3A_510 = arith.index_cast %parallel_loop3A_479 : i32 to index
      %parallel_loop3A_511 = arith.constant 32 : index
      %parallel_loop3A_512 = tpu.vector_load %arg11[%parallel_loop3A_510, %parallel_loop3A_511] {strides = array<i32>} : memref<128x64xf32, #tpu.memory_space<vmem>>, vector<16xf32>,
      %parallel_loop3A_513 = arith.mulf %parallel_loop3A_506, %parallel_loop3A_509 : vector<16xf32>
      %parallel_loop3A_514 = arith.addf %parallel_loop3A_501, %parallel_loop3A_513 : vector<16xf32>
      %parallel_loop3A_515 = arith.mulf %parallel_loop3A_506, %parallel_loop3A_512 : vector<16xf32>
      %parallel_loop3A_516 = arith.addf %parallel_loop3A_503, %parallel_loop3A_515 : vector<16xf32>
      %parallel_loop3A_517 = arith.index_cast %parallel_loop3A_479 : i32 to index
      %parallel_loop3A_518 = arith.constant 48 : index
      %parallel_loop3A_519 = tpu.vector_load %arg27[%parallel_loop3A_517, %parallel_loop3A_518] {strides = array<i32>} : memref<128x64xf32, #tpu.memory_space<vmem>>, vector<16xf32>,
      %parallel_loop3A_520 = arith.index_cast %parallel_loop3A_479 : i32 to index
      %parallel_loop3A_521 = arith.constant 48 : index
      %parallel_loop3A_522 = tpu.vector_load %arg10[%parallel_loop3A_520, %parallel_loop3A_521] {strides = array<i32>} : memref<128x64xf32, #tpu.memory_space<vmem>>, vector<16xf32>,
      %parallel_loop3A_523 = arith.index_cast %parallel_loop3A_479 : i32 to index
      %parallel_loop3A_524 = arith.constant 48 : index
      %parallel_loop3A_525 = tpu.vector_load %arg11[%parallel_loop3A_523, %parallel_loop3A_524] {strides = array<i32>} : memref<128x64xf32, #tpu.memory_space<vmem>>, vector<16xf32>,
      %parallel_loop3A_526 = arith.mulf %parallel_loop3A_519, %parallel_loop3A_522 : vector<16xf32>
      %parallel_loop3A_527 = arith.addf %parallel_loop3A_514, %parallel_loop3A_526 : vector<16xf32>
      %parallel_loop3A_528 = arith.mulf %parallel_loop3A_519, %parallel_loop3A_525 : vector<16xf32>
      %parallel_loop3A_529 = arith.addf %parallel_loop3A_516, %parallel_loop3A_528 : vector<16xf32>
      %parallel_loop3A_530 = vector.broadcast %parallel_loop3A_479 : i32 to vector<16xi32>
      %parallel_loop3A_531 = arith.constant true
      %parallel_loop3A_532 = vector.broadcast %parallel_loop3A_531 : i1 to vector<16xi1>
      %parallel_loop3A_533 = tpu.scan <sum>, %parallel_loop3A_527 masked %parallel_loop3A_532 : vector<16xf32>, vector<16xi1> -> vector<16xf32>
      tpu.vector_store_idx %arg20[%parallel_loop3A_530], %parallel_loop3A_533 masked %eq3A : memref<128xf32, #tpu.memory_space<vmem>>[vector<16xi32>], vector<16xf32>, vector<16xi1>
      %parallel_loop3A_534 = arith.constant true
      %parallel_loop3A_535 = vector.broadcast %parallel_loop3A_534 : i1 to vector<16xi1>
      %parallel_loop3A_536 = tpu.scan <sum>, %parallel_loop3A_529 masked %parallel_loop3A_535 : vector<16xf32>, vector<16xi1> -> vector<16xf32>
      tpu.vector_store_idx %arg21[%parallel_loop3A_530], %parallel_loop3A_536 masked %eq3A : memref<128xf32, #tpu.memory_space<vmem>>[vector<16xi32>], vector<16xf32>, vector<16xi1>
    } {sc.loop_unroll_factor = 4 : i64, sc.parallel_access}
    %dma_wait3A_249 = arith.constant 64 : i32
    %dma_wait3A_250 = arith.constant 0 : i32
    %dma_wait3A_251 = tpu.memref_slice %arg27[%dma_wait3A_249, %dma_wait3A_250] : memref<128x64xf32, #tpu.memory_space<vmem>> -> memref<32x64xf32, #tpu.memory_space<vmem>>
    %dma_wait3A_252 = arith.constant 64 : i32
    %dma_wait3A_253 = tpu.memref_slice %arg16[%dma_wait3A_252] : memref<128xi32, #tpu.memory_space<vmem>> -> memref<32xi32, #tpu.memory_space<vmem>>
    %dma_wait3A_254 = arith.constant 0 : i32
    %dma_wait3A_255 = arith.constant 0 : i32
    %dma_wait3A_256 = tpu.memref_slice %arg6[%dma_wait3A_254, %dma_wait3A_255] : memref<4096x64xf32, #tpu.memory_space<hbm>> -> memref<4096x64xf32, #tpu.memory_space<hbm>>
    tpu.wait_indirect_dma semaphore(%arg24 : memref<!tpu.dma_semaphore, #tpu.memory_space<semaphore_mem>>) src(%dma_wait3A_256 : memref<4096x64xf32, #tpu.memory_space<hbm>>) dst(%dma_wait3A_251 : memref<32x64xf32, #tpu.memory_space<vmem>>)
    %dma_wait3A_257 = arith.constant 64 : i32
    %dma_wait3A_258 = arith.constant 0 : i32
    %dma_wait3A_259 = tpu.memref_slice %arg10[%dma_wait3A_257, %dma_wait3A_258] : memref<128x64xf32, #tpu.memory_space<vmem>> -> memref<32x64xf32, #tpu.memory_space<vmem>>
    %dma_wait3A_260 = arith.constant 64 : i32
    %dma_wait3A_261 = tpu.memref_slice %arg12[%dma_wait3A_260] : memref<128xi32, #tpu.memory_space<vmem>> -> memref<32xi32, #tpu.memory_space<vmem>>
    %dma_wait3A_262 = arith.constant 0 : i32
    %dma_wait3A_263 = arith.constant 0 : i32
    %dma_wait3A_264 = tpu.memref_slice %arg7[%dma_wait3A_262, %dma_wait3A_263] : memref<8192x64xf32, #tpu.memory_space<hbm>> -> memref<8192x64xf32, #tpu.memory_space<hbm>>
    tpu.wait_indirect_dma semaphore(%arg24 : memref<!tpu.dma_semaphore, #tpu.memory_space<semaphore_mem>>) src(%dma_wait3A_264 : memref<8192x64xf32, #tpu.memory_space<hbm>>) dst(%dma_wait3A_259 : memref<32x64xf32, #tpu.memory_space<vmem>>)
    %dma_wait3A_265 = arith.constant 64 : i32
    %dma_wait3A_266 = arith.constant 0 : i32
    %dma_wait3A_267 = tpu.memref_slice %arg11[%dma_wait3A_265, %dma_wait3A_266] : memref<128x64xf32, #tpu.memory_space<vmem>> -> memref<32x64xf32, #tpu.memory_space<vmem>>
    %dma_wait3A_268 = arith.constant 64 : i32
    %dma_wait3A_269 = tpu.memref_slice %arg14[%dma_wait3A_268] : memref<128xi32, #tpu.memory_space<vmem>> -> memref<32xi32, #tpu.memory_space<vmem>>
    %dma_wait3A_270 = arith.constant 0 : i32
    %dma_wait3A_271 = arith.constant 0 : i32
    %dma_wait3A_272 = tpu.memref_slice %arg7[%dma_wait3A_270, %dma_wait3A_271] : memref<8192x64xf32, #tpu.memory_space<hbm>> -> memref<8192x64xf32, #tpu.memory_space<hbm>>
    tpu.wait_indirect_dma semaphore(%arg24 : memref<!tpu.dma_semaphore, #tpu.memory_space<semaphore_mem>>) src(%dma_wait3A_272 : memref<8192x64xf32, #tpu.memory_space<hbm>>) dst(%dma_wait3A_267 : memref<32x64xf32, #tpu.memory_space<vmem>>)
    %parallel_loop3A_273 = arith.constant 64 : i32
    %parallel_loop3A_274 = arith.constant 96 : i32
    %parallel_loop3A_275 = arith.constant 1 : i32
    scf.for %parallel_loop3A_479 = %parallel_loop3A_273 to %parallel_loop3A_274 step %parallel_loop3A_275  : i32 {
      %parallel_loop3A_480 = arith.index_cast %parallel_loop3A_479 : i32 to index
      %parallel_loop3A_481 = arith.constant 0 : index
      %parallel_loop3A_482 = tpu.vector_load %arg27[%parallel_loop3A_480, %parallel_loop3A_481] {strides = array<i32>} : memref<128x64xf32, #tpu.memory_space<vmem>>, vector<16xf32>,
      %parallel_loop3A_483 = arith.index_cast %parallel_loop3A_479 : i32 to index
      %parallel_loop3A_484 = arith.constant 0 : index
      %parallel_loop3A_485 = tpu.vector_load %arg10[%parallel_loop3A_483, %parallel_loop3A_484] {strides = array<i32>} : memref<128x64xf32, #tpu.memory_space<vmem>>, vector<16xf32>,
      %parallel_loop3A_486 = arith.index_cast %parallel_loop3A_479 : i32 to index
      %parallel_loop3A_487 = arith.constant 0 : index
      %parallel_loop3A_488 = tpu.vector_load %arg11[%parallel_loop3A_486, %parallel_loop3A_487] {strides = array<i32>} : memref<128x64xf32, #tpu.memory_space<vmem>>, vector<16xf32>,
      %parallel_loop3A_489 = arith.mulf %parallel_loop3A_482, %parallel_loop3A_485 : vector<16xf32>
      %parallel_loop3A_490 = arith.mulf %parallel_loop3A_482, %parallel_loop3A_488 : vector<16xf32>
      %parallel_loop3A_491 = arith.index_cast %parallel_loop3A_479 : i32 to index
      %parallel_loop3A_492 = arith.constant 16 : index
      %parallel_loop3A_493 = tpu.vector_load %arg27[%parallel_loop3A_491, %parallel_loop3A_492] {strides = array<i32>} : memref<128x64xf32, #tpu.memory_space<vmem>>, vector<16xf32>,
      %parallel_loop3A_494 = arith.index_cast %parallel_loop3A_479 : i32 to index
      %parallel_loop3A_495 = arith.constant 16 : index
      %parallel_loop3A_496 = tpu.vector_load %arg10[%parallel_loop3A_494, %parallel_loop3A_495] {strides = array<i32>} : memref<128x64xf32, #tpu.memory_space<vmem>>, vector<16xf32>,
      %parallel_loop3A_497 = arith.index_cast %parallel_loop3A_479 : i32 to index
      %parallel_loop3A_498 = arith.constant 16 : index
      %parallel_loop3A_499 = tpu.vector_load %arg11[%parallel_loop3A_497, %parallel_loop3A_498] {strides = array<i32>} : memref<128x64xf32, #tpu.memory_space<vmem>>, vector<16xf32>,
      %parallel_loop3A_500 = arith.mulf %parallel_loop3A_493, %parallel_loop3A_496 : vector<16xf32>
      %parallel_loop3A_501 = arith.addf %parallel_loop3A_489, %parallel_loop3A_500 : vector<16xf32>
      %parallel_loop3A_502 = arith.mulf %parallel_loop3A_493, %parallel_loop3A_499 : vector<16xf32>
      %parallel_loop3A_503 = arith.addf %parallel_loop3A_490, %parallel_loop3A_502 : vector<16xf32>
      %parallel_loop3A_504 = arith.index_cast %parallel_loop3A_479 : i32 to index
      %parallel_loop3A_505 = arith.constant 32 : index
      %parallel_loop3A_506 = tpu.vector_load %arg27[%parallel_loop3A_504, %parallel_loop3A_505] {strides = array<i32>} : memref<128x64xf32, #tpu.memory_space<vmem>>, vector<16xf32>,
      %parallel_loop3A_507 = arith.index_cast %parallel_loop3A_479 : i32 to index
      %parallel_loop3A_508 = arith.constant 32 : index
      %parallel_loop3A_509 = tpu.vector_load %arg10[%parallel_loop3A_507, %parallel_loop3A_508] {strides = array<i32>} : memref<128x64xf32, #tpu.memory_space<vmem>>, vector<16xf32>,
      %parallel_loop3A_510 = arith.index_cast %parallel_loop3A_479 : i32 to index
      %parallel_loop3A_511 = arith.constant 32 : index
      %parallel_loop3A_512 = tpu.vector_load %arg11[%parallel_loop3A_510, %parallel_loop3A_511] {strides = array<i32>} : memref<128x64xf32, #tpu.memory_space<vmem>>, vector<16xf32>,
      %parallel_loop3A_513 = arith.mulf %parallel_loop3A_506, %parallel_loop3A_509 : vector<16xf32>
      %parallel_loop3A_514 = arith.addf %parallel_loop3A_501, %parallel_loop3A_513 : vector<16xf32>
      %parallel_loop3A_515 = arith.mulf %parallel_loop3A_506, %parallel_loop3A_512 : vector<16xf32>
      %parallel_loop3A_516 = arith.addf %parallel_loop3A_503, %parallel_loop3A_515 : vector<16xf32>
      %parallel_loop3A_517 = arith.index_cast %parallel_loop3A_479 : i32 to index
      %parallel_loop3A_518 = arith.constant 48 : index
      %parallel_loop3A_519 = tpu.vector_load %arg27[%parallel_loop3A_517, %parallel_loop3A_518] {strides = array<i32>} : memref<128x64xf32, #tpu.memory_space<vmem>>, vector<16xf32>,
      %parallel_loop3A_520 = arith.index_cast %parallel_loop3A_479 : i32 to index
      %parallel_loop3A_521 = arith.constant 48 : index
      %parallel_loop3A_522 = tpu.vector_load %arg10[%parallel_loop3A_520, %parallel_loop3A_521] {strides = array<i32>} : memref<128x64xf32, #tpu.memory_space<vmem>>, vector<16xf32>,
      %parallel_loop3A_523 = arith.index_cast %parallel_loop3A_479 : i32 to index
      %parallel_loop3A_524 = arith.constant 48 : index
      %parallel_loop3A_525 = tpu.vector_load %arg11[%parallel_loop3A_523, %parallel_loop3A_524] {strides = array<i32>} : memref<128x64xf32, #tpu.memory_space<vmem>>, vector<16xf32>,
      %parallel_loop3A_526 = arith.mulf %parallel_loop3A_519, %parallel_loop3A_522 : vector<16xf32>
      %parallel_loop3A_527 = arith.addf %parallel_loop3A_514, %parallel_loop3A_526 : vector<16xf32>
      %parallel_loop3A_528 = arith.mulf %parallel_loop3A_519, %parallel_loop3A_525 : vector<16xf32>
      %parallel_loop3A_529 = arith.addf %parallel_loop3A_516, %parallel_loop3A_528 : vector<16xf32>
      %parallel_loop3A_530 = vector.broadcast %parallel_loop3A_479 : i32 to vector<16xi32>
      %parallel_loop3A_531 = arith.constant true
      %parallel_loop3A_532 = vector.broadcast %parallel_loop3A_531 : i1 to vector<16xi1>
      %parallel_loop3A_533 = tpu.scan <sum>, %parallel_loop3A_527 masked %parallel_loop3A_532 : vector<16xf32>, vector<16xi1> -> vector<16xf32>
      tpu.vector_store_idx %arg20[%parallel_loop3A_530], %parallel_loop3A_533 masked %eq3A : memref<128xf32, #tpu.memory_space<vmem>>[vector<16xi32>], vector<16xf32>, vector<16xi1>
      %parallel_loop3A_534 = arith.constant true
      %parallel_loop3A_535 = vector.broadcast %parallel_loop3A_534 : i1 to vector<16xi1>
      %parallel_loop3A_536 = tpu.scan <sum>, %parallel_loop3A_529 masked %parallel_loop3A_535 : vector<16xf32>, vector<16xi1> -> vector<16xf32>
      tpu.vector_store_idx %arg21[%parallel_loop3A_530], %parallel_loop3A_536 masked %eq3A : memref<128xf32, #tpu.memory_space<vmem>>[vector<16xi32>], vector<16xf32>, vector<16xi1>
    } {sc.loop_unroll_factor = 4 : i64, sc.parallel_access}
    %dma_wait3A_276 = arith.constant 96 : i32
    %dma_wait3A_277 = arith.constant 0 : i32
    %dma_wait3A_278 = tpu.memref_slice %arg27[%dma_wait3A_276, %dma_wait3A_277] : memref<128x64xf32, #tpu.memory_space<vmem>> -> memref<32x64xf32, #tpu.memory_space<vmem>>
    %dma_wait3A_279 = arith.constant 96 : i32
    %dma_wait3A_280 = tpu.memref_slice %arg16[%dma_wait3A_279] : memref<128xi32, #tpu.memory_space<vmem>> -> memref<32xi32, #tpu.memory_space<vmem>>
    %dma_wait3A_281 = arith.constant 0 : i32
    %dma_wait3A_282 = arith.constant 0 : i32
    %dma_wait3A_283 = tpu.memref_slice %arg6[%dma_wait3A_281, %dma_wait3A_282] : memref<4096x64xf32, #tpu.memory_space<hbm>> -> memref<4096x64xf32, #tpu.memory_space<hbm>>
    tpu.wait_indirect_dma semaphore(%arg25 : memref<!tpu.dma_semaphore, #tpu.memory_space<semaphore_mem>>) src(%dma_wait3A_283 : memref<4096x64xf32, #tpu.memory_space<hbm>>) dst(%dma_wait3A_278 : memref<32x64xf32, #tpu.memory_space<vmem>>)
    %dma_wait3A_284 = arith.constant 96 : i32
    %dma_wait3A_285 = arith.constant 0 : i32
    %dma_wait3A_286 = tpu.memref_slice %arg10[%dma_wait3A_284, %dma_wait3A_285] : memref<128x64xf32, #tpu.memory_space<vmem>> -> memref<32x64xf32, #tpu.memory_space<vmem>>
    %dma_wait3A_287 = arith.constant 96 : i32
    %dma_wait3A_288 = tpu.memref_slice %arg12[%dma_wait3A_287] : memref<128xi32, #tpu.memory_space<vmem>> -> memref<32xi32, #tpu.memory_space<vmem>>
    %dma_wait3A_289 = arith.constant 0 : i32
    %dma_wait3A_290 = arith.constant 0 : i32
    %dma_wait3A_291 = tpu.memref_slice %arg7[%dma_wait3A_289, %dma_wait3A_290] : memref<8192x64xf32, #tpu.memory_space<hbm>> -> memref<8192x64xf32, #tpu.memory_space<hbm>>
    tpu.wait_indirect_dma semaphore(%arg25 : memref<!tpu.dma_semaphore, #tpu.memory_space<semaphore_mem>>) src(%dma_wait3A_291 : memref<8192x64xf32, #tpu.memory_space<hbm>>) dst(%dma_wait3A_286 : memref<32x64xf32, #tpu.memory_space<vmem>>)
    %dma_wait3A_292 = arith.constant 96 : i32
    %dma_wait3A_293 = arith.constant 0 : i32
    %dma_wait3A_294 = tpu.memref_slice %arg11[%dma_wait3A_292, %dma_wait3A_293] : memref<128x64xf32, #tpu.memory_space<vmem>> -> memref<32x64xf32, #tpu.memory_space<vmem>>
    %dma_wait3A_295 = arith.constant 96 : i32
    %dma_wait3A_296 = tpu.memref_slice %arg14[%dma_wait3A_295] : memref<128xi32, #tpu.memory_space<vmem>> -> memref<32xi32, #tpu.memory_space<vmem>>
    %dma_wait3A_297 = arith.constant 0 : i32
    %dma_wait3A_298 = arith.constant 0 : i32
    %dma_wait3A_299 = tpu.memref_slice %arg7[%dma_wait3A_297, %dma_wait3A_298] : memref<8192x64xf32, #tpu.memory_space<hbm>> -> memref<8192x64xf32, #tpu.memory_space<hbm>>
    tpu.wait_indirect_dma semaphore(%arg25 : memref<!tpu.dma_semaphore, #tpu.memory_space<semaphore_mem>>) src(%dma_wait3A_299 : memref<8192x64xf32, #tpu.memory_space<hbm>>) dst(%dma_wait3A_294 : memref<32x64xf32, #tpu.memory_space<vmem>>)
    %parallel_loop3A_300 = arith.constant 96 : i32
    %parallel_loop3A_301 = arith.constant 128 : i32
    %parallel_loop3A_302 = arith.constant 1 : i32
    scf.for %parallel_loop3A_479 = %parallel_loop3A_300 to %parallel_loop3A_301 step %parallel_loop3A_302  : i32 {
      %parallel_loop3A_480 = arith.index_cast %parallel_loop3A_479 : i32 to index
      %parallel_loop3A_481 = arith.constant 0 : index
      %parallel_loop3A_482 = tpu.vector_load %arg27[%parallel_loop3A_480, %parallel_loop3A_481] {strides = array<i32>} : memref<128x64xf32, #tpu.memory_space<vmem>>, vector<16xf32>,
      %parallel_loop3A_483 = arith.index_cast %parallel_loop3A_479 : i32 to index
      %parallel_loop3A_484 = arith.constant 0 : index
      %parallel_loop3A_485 = tpu.vector_load %arg10[%parallel_loop3A_483, %parallel_loop3A_484] {strides = array<i32>} : memref<128x64xf32, #tpu.memory_space<vmem>>, vector<16xf32>,
      %parallel_loop3A_486 = arith.index_cast %parallel_loop3A_479 : i32 to index
      %parallel_loop3A_487 = arith.constant 0 : index
      %parallel_loop3A_488 = tpu.vector_load %arg11[%parallel_loop3A_486, %parallel_loop3A_487] {strides = array<i32>} : memref<128x64xf32, #tpu.memory_space<vmem>>, vector<16xf32>,
      %parallel_loop3A_489 = arith.mulf %parallel_loop3A_482, %parallel_loop3A_485 : vector<16xf32>
      %parallel_loop3A_490 = arith.mulf %parallel_loop3A_482, %parallel_loop3A_488 : vector<16xf32>
      %parallel_loop3A_491 = arith.index_cast %parallel_loop3A_479 : i32 to index
      %parallel_loop3A_492 = arith.constant 16 : index
      %parallel_loop3A_493 = tpu.vector_load %arg27[%parallel_loop3A_491, %parallel_loop3A_492] {strides = array<i32>} : memref<128x64xf32, #tpu.memory_space<vmem>>, vector<16xf32>,
      %parallel_loop3A_494 = arith.index_cast %parallel_loop3A_479 : i32 to index
      %parallel_loop3A_495 = arith.constant 16 : index
      %parallel_loop3A_496 = tpu.vector_load %arg10[%parallel_loop3A_494, %parallel_loop3A_495] {strides = array<i32>} : memref<128x64xf32, #tpu.memory_space<vmem>>, vector<16xf32>,
      %parallel_loop3A_497 = arith.index_cast %parallel_loop3A_479 : i32 to index
      %parallel_loop3A_498 = arith.constant 16 : index
      %parallel_loop3A_499 = tpu.vector_load %arg11[%parallel_loop3A_497, %parallel_loop3A_498] {strides = array<i32>} : memref<128x64xf32, #tpu.memory_space<vmem>>, vector<16xf32>,
      %parallel_loop3A_500 = arith.mulf %parallel_loop3A_493, %parallel_loop3A_496 : vector<16xf32>
      %parallel_loop3A_501 = arith.addf %parallel_loop3A_489, %parallel_loop3A_500 : vector<16xf32>
      %parallel_loop3A_502 = arith.mulf %parallel_loop3A_493, %parallel_loop3A_499 : vector<16xf32>
      %parallel_loop3A_503 = arith.addf %parallel_loop3A_490, %parallel_loop3A_502 : vector<16xf32>
      %parallel_loop3A_504 = arith.index_cast %parallel_loop3A_479 : i32 to index
      %parallel_loop3A_505 = arith.constant 32 : index
      %parallel_loop3A_506 = tpu.vector_load %arg27[%parallel_loop3A_504, %parallel_loop3A_505] {strides = array<i32>} : memref<128x64xf32, #tpu.memory_space<vmem>>, vector<16xf32>,
      %parallel_loop3A_507 = arith.index_cast %parallel_loop3A_479 : i32 to index
      %parallel_loop3A_508 = arith.constant 32 : index
      %parallel_loop3A_509 = tpu.vector_load %arg10[%parallel_loop3A_507, %parallel_loop3A_508] {strides = array<i32>} : memref<128x64xf32, #tpu.memory_space<vmem>>, vector<16xf32>,
      %parallel_loop3A_510 = arith.index_cast %parallel_loop3A_479 : i32 to index
      %parallel_loop3A_511 = arith.constant 32 : index
      %parallel_loop3A_512 = tpu.vector_load %arg11[%parallel_loop3A_510, %parallel_loop3A_511] {strides = array<i32>} : memref<128x64xf32, #tpu.memory_space<vmem>>, vector<16xf32>,
      %parallel_loop3A_513 = arith.mulf %parallel_loop3A_506, %parallel_loop3A_509 : vector<16xf32>
      %parallel_loop3A_514 = arith.addf %parallel_loop3A_501, %parallel_loop3A_513 : vector<16xf32>
      %parallel_loop3A_515 = arith.mulf %parallel_loop3A_506, %parallel_loop3A_512 : vector<16xf32>
      %parallel_loop3A_516 = arith.addf %parallel_loop3A_503, %parallel_loop3A_515 : vector<16xf32>
      %parallel_loop3A_517 = arith.index_cast %parallel_loop3A_479 : i32 to index
      %parallel_loop3A_518 = arith.constant 48 : index
      %parallel_loop3A_519 = tpu.vector_load %arg27[%parallel_loop3A_517, %parallel_loop3A_518] {strides = array<i32>} : memref<128x64xf32, #tpu.memory_space<vmem>>, vector<16xf32>,
      %parallel_loop3A_520 = arith.index_cast %parallel_loop3A_479 : i32 to index
      %parallel_loop3A_521 = arith.constant 48 : index
      %parallel_loop3A_522 = tpu.vector_load %arg10[%parallel_loop3A_520, %parallel_loop3A_521] {strides = array<i32>} : memref<128x64xf32, #tpu.memory_space<vmem>>, vector<16xf32>,
      %parallel_loop3A_523 = arith.index_cast %parallel_loop3A_479 : i32 to index
      %parallel_loop3A_524 = arith.constant 48 : index
      %parallel_loop3A_525 = tpu.vector_load %arg11[%parallel_loop3A_523, %parallel_loop3A_524] {strides = array<i32>} : memref<128x64xf32, #tpu.memory_space<vmem>>, vector<16xf32>,
      %parallel_loop3A_526 = arith.mulf %parallel_loop3A_519, %parallel_loop3A_522 : vector<16xf32>
      %parallel_loop3A_527 = arith.addf %parallel_loop3A_514, %parallel_loop3A_526 : vector<16xf32>
      %parallel_loop3A_528 = arith.mulf %parallel_loop3A_519, %parallel_loop3A_525 : vector<16xf32>
      %parallel_loop3A_529 = arith.addf %parallel_loop3A_516, %parallel_loop3A_528 : vector<16xf32>
      %parallel_loop3A_530 = vector.broadcast %parallel_loop3A_479 : i32 to vector<16xi32>
      %parallel_loop3A_531 = arith.constant true
      %parallel_loop3A_532 = vector.broadcast %parallel_loop3A_531 : i1 to vector<16xi1>
      %parallel_loop3A_533 = tpu.scan <sum>, %parallel_loop3A_527 masked %parallel_loop3A_532 : vector<16xf32>, vector<16xi1> -> vector<16xf32>
      tpu.vector_store_idx %arg20[%parallel_loop3A_530], %parallel_loop3A_533 masked %eq3A : memref<128xf32, #tpu.memory_space<vmem>>[vector<16xi32>], vector<16xf32>, vector<16xi1>
      %parallel_loop3A_534 = arith.constant true
      %parallel_loop3A_535 = vector.broadcast %parallel_loop3A_534 : i1 to vector<16xi1>
      %parallel_loop3A_536 = tpu.scan <sum>, %parallel_loop3A_529 masked %parallel_loop3A_535 : vector<16xf32>, vector<16xi1> -> vector<16xf32>
      tpu.vector_store_idx %arg21[%parallel_loop3A_530], %parallel_loop3A_536 masked %eq3A : memref<128xf32, #tpu.memory_space<vmem>>[vector<16xi32>], vector<16xf32>, vector<16xi1>
    } {sc.loop_unroll_factor = 4 : i64, sc.parallel_access}
    %dma_wait3A_303 = arith.constant 0 : i32
    %dma_wait3A_304 = tpu.memref_slice %arg5[%dma_wait3A_303] : memref<12288xf32, #tpu.memory_space<hbm>> -> memref<12288xf32, #tpu.memory_space<hbm>>
    tpu.wait_indirect_dma semaphore(%arg26 : memref<!tpu.dma_semaphore, #tpu.memory_space<semaphore_mem>>) src(%dma_wait3A_304 : memref<12288xf32, #tpu.memory_space<hbm>>) dst(%arg19 : memref<128xf32, #tpu.memory_space<vmem>>)
    %dma_wait3A_305 = arith.constant 0 : i32
    %dma_wait3A_306 = tpu.memref_slice %arg5[%dma_wait3A_305] : memref<12288xf32, #tpu.memory_space<hbm>> -> memref<12288xf32, #tpu.memory_space<hbm>>
    tpu.wait_indirect_dma semaphore(%arg26 : memref<!tpu.dma_semaphore, #tpu.memory_space<semaphore_mem>>) src(%dma_wait3A_306 : memref<12288xf32, #tpu.memory_space<hbm>>) dst(%arg17 : memref<128xf32, #tpu.memory_space<vmem>>)
    %dma_wait3A_307 = arith.constant 0 : i32
    %dma_wait3A_308 = tpu.memref_slice %arg5[%dma_wait3A_307] : memref<12288xf32, #tpu.memory_space<hbm>> -> memref<12288xf32, #tpu.memory_space<hbm>>
    tpu.wait_indirect_dma semaphore(%arg26 : memref<!tpu.dma_semaphore, #tpu.memory_space<semaphore_mem>>) src(%dma_wait3A_308 : memref<12288xf32, #tpu.memory_space<hbm>>) dst(%arg18 : memref<128xf32, #tpu.memory_space<vmem>>)
    %broadcast_in_dim3A_309 = arith.constant 3.000000e-01 : f32
    %broadcast_in_dim3A_310 = vector.broadcast %broadcast_in_dim3A_309 : f32 to vector<16xf32>
    %get3A_311 = arith.constant 0 : index
    %get3A_312 = tpu.vector_load %arg19[%get3A_311] {strides = array<i32>} : memref<128xf32, #tpu.memory_space<vmem>>, vector<16xf32>,
    %get3A_313 = arith.constant 0 : index
    %get3A_314 = tpu.vector_load %arg20[%get3A_313] {strides = array<i32>} : memref<128xf32, #tpu.memory_space<vmem>>, vector<16xf32>,
    %get3A_315 = arith.constant 0 : index
    %get3A_316 = tpu.vector_load %arg17[%get3A_315] {strides = array<i32>} : memref<128xf32, #tpu.memory_space<vmem>>, vector<16xf32>,
    %add3A_317 = arith.addf %get3A_312, %get3A_316 : vector<16xf32>
    %mul3A_318 = arith.mulf %broadcast_in_dim3A_310, %add3A_317 : vector<16xf32>
    %add3A_319 = arith.addf %get3A_314, %mul3A_318 : vector<16xf32>
    %swap3A_320 = arith.constant 0 : index
    %swap3A_321 = tpu.vector_load %arg20[%swap3A_320] {strides = array<i32>} : memref<128xf32, #tpu.memory_space<vmem>>, vector<16xf32>,
    tpu.vector_store %arg20[%swap3A_320], %add3A_319 {strides = array<i32>} : memref<128xf32, #tpu.memory_space<vmem>>, vector<16xf32>,
    %get3A_322 = arith.constant 0 : index
    %get3A_323 = tpu.vector_load %arg21[%get3A_322] {strides = array<i32>} : memref<128xf32, #tpu.memory_space<vmem>>, vector<16xf32>,
    %get3A_324 = arith.constant 0 : index
    %get3A_325 = tpu.vector_load %arg18[%get3A_324] {strides = array<i32>} : memref<128xf32, #tpu.memory_space<vmem>>, vector<16xf32>,
    %add3A_326 = arith.addf %get3A_312, %get3A_325 : vector<16xf32>
    %mul3A_327 = arith.mulf %broadcast_in_dim3A_310, %add3A_326 : vector<16xf32>
    %add3A_328 = arith.addf %get3A_323, %mul3A_327 : vector<16xf32>
    %swap3A_329 = arith.constant 0 : index
    %swap3A_330 = tpu.vector_load %arg21[%swap3A_329] {strides = array<i32>} : memref<128xf32, #tpu.memory_space<vmem>>, vector<16xf32>,
    tpu.vector_store %arg21[%swap3A_329], %add3A_328 {strides = array<i32>} : memref<128xf32, #tpu.memory_space<vmem>>, vector<16xf32>,
    %get3A_331 = arith.constant 16 : index
    %get3A_332 = tpu.vector_load %arg19[%get3A_331] {strides = array<i32>} : memref<128xf32, #tpu.memory_space<vmem>>, vector<16xf32>,
    %get3A_333 = arith.constant 16 : index
    %get3A_334 = tpu.vector_load %arg20[%get3A_333] {strides = array<i32>} : memref<128xf32, #tpu.memory_space<vmem>>, vector<16xf32>,
    %get3A_335 = arith.constant 16 : index
    %get3A_336 = tpu.vector_load %arg17[%get3A_335] {strides = array<i32>} : memref<128xf32, #tpu.memory_space<vmem>>, vector<16xf32>,
    %add3A_337 = arith.addf %get3A_332, %get3A_336 : vector<16xf32>
    %mul3A_338 = arith.mulf %broadcast_in_dim3A_310, %add3A_337 : vector<16xf32>
    %add3A_339 = arith.addf %get3A_334, %mul3A_338 : vector<16xf32>
    %swap3A_340 = arith.constant 16 : index
    %swap3A_341 = tpu.vector_load %arg20[%swap3A_340] {strides = array<i32>} : memref<128xf32, #tpu.memory_space<vmem>>, vector<16xf32>,
    tpu.vector_store %arg20[%swap3A_340], %add3A_339 {strides = array<i32>} : memref<128xf32, #tpu.memory_space<vmem>>, vector<16xf32>,
    %get3A_342 = arith.constant 16 : index
    %get3A_343 = tpu.vector_load %arg21[%get3A_342] {strides = array<i32>} : memref<128xf32, #tpu.memory_space<vmem>>, vector<16xf32>,
    %get3A_344 = arith.constant 16 : index
    %get3A_345 = tpu.vector_load %arg18[%get3A_344] {strides = array<i32>} : memref<128xf32, #tpu.memory_space<vmem>>, vector<16xf32>,
    %add3A_346 = arith.addf %get3A_332, %get3A_345 : vector<16xf32>
    %mul3A_347 = arith.mulf %broadcast_in_dim3A_310, %add3A_346 : vector<16xf32>
    %add3A_348 = arith.addf %get3A_343, %mul3A_347 : vector<16xf32>
    %swap3A_349 = arith.constant 16 : index
    %swap3A_350 = tpu.vector_load %arg21[%swap3A_349] {strides = array<i32>} : memref<128xf32, #tpu.memory_space<vmem>>, vector<16xf32>,
    tpu.vector_store %arg21[%swap3A_349], %add3A_348 {strides = array<i32>} : memref<128xf32, #tpu.memory_space<vmem>>, vector<16xf32>,
    %get3A_351 = arith.constant 32 : index
    %get3A_352 = tpu.vector_load %arg19[%get3A_351] {strides = array<i32>} : memref<128xf32, #tpu.memory_space<vmem>>, vector<16xf32>,
    %get3A_353 = arith.constant 32 : index
    %get3A_354 = tpu.vector_load %arg20[%get3A_353] {strides = array<i32>} : memref<128xf32, #tpu.memory_space<vmem>>, vector<16xf32>,
    %get3A_355 = arith.constant 32 : index
    %get3A_356 = tpu.vector_load %arg17[%get3A_355] {strides = array<i32>} : memref<128xf32, #tpu.memory_space<vmem>>, vector<16xf32>,
    %add3A_357 = arith.addf %get3A_352, %get3A_356 : vector<16xf32>
    %mul3A_358 = arith.mulf %broadcast_in_dim3A_310, %add3A_357 : vector<16xf32>
    %add3A_359 = arith.addf %get3A_354, %mul3A_358 : vector<16xf32>
    %swap3A_360 = arith.constant 32 : index
    %swap3A_361 = tpu.vector_load %arg20[%swap3A_360] {strides = array<i32>} : memref<128xf32, #tpu.memory_space<vmem>>, vector<16xf32>,
    tpu.vector_store %arg20[%swap3A_360], %add3A_359 {strides = array<i32>} : memref<128xf32, #tpu.memory_space<vmem>>, vector<16xf32>,
    %get3A_362 = arith.constant 32 : index
    %get3A_363 = tpu.vector_load %arg21[%get3A_362] {strides = array<i32>} : memref<128xf32, #tpu.memory_space<vmem>>, vector<16xf32>,
    %get3A_364 = arith.constant 32 : index
    %get3A_365 = tpu.vector_load %arg18[%get3A_364] {strides = array<i32>} : memref<128xf32, #tpu.memory_space<vmem>>, vector<16xf32>,
    %add3A_366 = arith.addf %get3A_352, %get3A_365 : vector<16xf32>
    %mul3A_367 = arith.mulf %broadcast_in_dim3A_310, %add3A_366 : vector<16xf32>
    %add3A_368 = arith.addf %get3A_363, %mul3A_367 : vector<16xf32>
    %swap3A_369 = arith.constant 32 : index
    %swap3A_370 = tpu.vector_load %arg21[%swap3A_369] {strides = array<i32>} : memref<128xf32, #tpu.memory_space<vmem>>, vector<16xf32>,
    tpu.vector_store %arg21[%swap3A_369], %add3A_368 {strides = array<i32>} : memref<128xf32, #tpu.memory_space<vmem>>, vector<16xf32>,
    %get3A_371 = arith.constant 48 : index
    %get3A_372 = tpu.vector_load %arg19[%get3A_371] {strides = array<i32>} : memref<128xf32, #tpu.memory_space<vmem>>, vector<16xf32>,
    %get3A_373 = arith.constant 48 : index
    %get3A_374 = tpu.vector_load %arg20[%get3A_373] {strides = array<i32>} : memref<128xf32, #tpu.memory_space<vmem>>, vector<16xf32>,
    %get3A_375 = arith.constant 48 : index
    %get3A_376 = tpu.vector_load %arg17[%get3A_375] {strides = array<i32>} : memref<128xf32, #tpu.memory_space<vmem>>, vector<16xf32>,
    %add3A_377 = arith.addf %get3A_372, %get3A_376 : vector<16xf32>
    %mul3A_378 = arith.mulf %broadcast_in_dim3A_310, %add3A_377 : vector<16xf32>
    %add3A_379 = arith.addf %get3A_374, %mul3A_378 : vector<16xf32>
    %swap3A_380 = arith.constant 48 : index
    %swap3A_381 = tpu.vector_load %arg20[%swap3A_380] {strides = array<i32>} : memref<128xf32, #tpu.memory_space<vmem>>, vector<16xf32>,
    tpu.vector_store %arg20[%swap3A_380], %add3A_379 {strides = array<i32>} : memref<128xf32, #tpu.memory_space<vmem>>, vector<16xf32>,
    %get3A_382 = arith.constant 48 : index
    %get3A_383 = tpu.vector_load %arg21[%get3A_382] {strides = array<i32>} : memref<128xf32, #tpu.memory_space<vmem>>, vector<16xf32>,
    %get3A_384 = arith.constant 48 : index
    %get3A_385 = tpu.vector_load %arg18[%get3A_384] {strides = array<i32>} : memref<128xf32, #tpu.memory_space<vmem>>, vector<16xf32>,
    %add3A_386 = arith.addf %get3A_372, %get3A_385 : vector<16xf32>
    %mul3A_387 = arith.mulf %broadcast_in_dim3A_310, %add3A_386 : vector<16xf32>
    %add3A_388 = arith.addf %get3A_383, %mul3A_387 : vector<16xf32>
    %swap3A_389 = arith.constant 48 : index
    %swap3A_390 = tpu.vector_load %arg21[%swap3A_389] {strides = array<i32>} : memref<128xf32, #tpu.memory_space<vmem>>, vector<16xf32>,
    tpu.vector_store %arg21[%swap3A_389], %add3A_388 {strides = array<i32>} : memref<128xf32, #tpu.memory_space<vmem>>, vector<16xf32>,
    %get3A_391 = arith.constant 64 : index
    %get3A_392 = tpu.vector_load %arg19[%get3A_391] {strides = array<i32>} : memref<128xf32, #tpu.memory_space<vmem>>, vector<16xf32>,
    %get3A_393 = arith.constant 64 : index
    %get3A_394 = tpu.vector_load %arg20[%get3A_393] {strides = array<i32>} : memref<128xf32, #tpu.memory_space<vmem>>, vector<16xf32>,
    %get3A_395 = arith.constant 64 : index
    %get3A_396 = tpu.vector_load %arg17[%get3A_395] {strides = array<i32>} : memref<128xf32, #tpu.memory_space<vmem>>, vector<16xf32>,
    %add3A_397 = arith.addf %get3A_392, %get3A_396 : vector<16xf32>
    %mul3A_398 = arith.mulf %broadcast_in_dim3A_310, %add3A_397 : vector<16xf32>
    %add3A_399 = arith.addf %get3A_394, %mul3A_398 : vector<16xf32>
    %swap3A_400 = arith.constant 64 : index
    %swap3A_401 = tpu.vector_load %arg20[%swap3A_400] {strides = array<i32>} : memref<128xf32, #tpu.memory_space<vmem>>, vector<16xf32>,
    tpu.vector_store %arg20[%swap3A_400], %add3A_399 {strides = array<i32>} : memref<128xf32, #tpu.memory_space<vmem>>, vector<16xf32>,
    %get3A_402 = arith.constant 64 : index
    %get3A_403 = tpu.vector_load %arg21[%get3A_402] {strides = array<i32>} : memref<128xf32, #tpu.memory_space<vmem>>, vector<16xf32>,
    %get3A_404 = arith.constant 64 : index
    %get3A_405 = tpu.vector_load %arg18[%get3A_404] {strides = array<i32>} : memref<128xf32, #tpu.memory_space<vmem>>, vector<16xf32>,
    %add3A_406 = arith.addf %get3A_392, %get3A_405 : vector<16xf32>
    %mul3A_407 = arith.mulf %broadcast_in_dim3A_310, %add3A_406 : vector<16xf32>
    %add3A_408 = arith.addf %get3A_403, %mul3A_407 : vector<16xf32>
    %swap3A_409 = arith.constant 64 : index
    %swap3A_410 = tpu.vector_load %arg21[%swap3A_409] {strides = array<i32>} : memref<128xf32, #tpu.memory_space<vmem>>, vector<16xf32>,
    tpu.vector_store %arg21[%swap3A_409], %add3A_408 {strides = array<i32>} : memref<128xf32, #tpu.memory_space<vmem>>, vector<16xf32>,
    %get3A_411 = arith.constant 80 : index
    %get3A_412 = tpu.vector_load %arg19[%get3A_411] {strides = array<i32>} : memref<128xf32, #tpu.memory_space<vmem>>, vector<16xf32>,
    %get3A_413 = arith.constant 80 : index
    %get3A_414 = tpu.vector_load %arg20[%get3A_413] {strides = array<i32>} : memref<128xf32, #tpu.memory_space<vmem>>, vector<16xf32>,
    %get3A_415 = arith.constant 80 : index
    %get3A_416 = tpu.vector_load %arg17[%get3A_415] {strides = array<i32>} : memref<128xf32, #tpu.memory_space<vmem>>, vector<16xf32>,
    %add3A_417 = arith.addf %get3A_412, %get3A_416 : vector<16xf32>
    %mul3A_418 = arith.mulf %broadcast_in_dim3A_310, %add3A_417 : vector<16xf32>
    %add3A_419 = arith.addf %get3A_414, %mul3A_418 : vector<16xf32>
    %swap3A_420 = arith.constant 80 : index
    %swap3A_421 = tpu.vector_load %arg20[%swap3A_420] {strides = array<i32>} : memref<128xf32, #tpu.memory_space<vmem>>, vector<16xf32>,
    tpu.vector_store %arg20[%swap3A_420], %add3A_419 {strides = array<i32>} : memref<128xf32, #tpu.memory_space<vmem>>, vector<16xf32>,
    %get3A_422 = arith.constant 80 : index
    %get3A_423 = tpu.vector_load %arg21[%get3A_422] {strides = array<i32>} : memref<128xf32, #tpu.memory_space<vmem>>, vector<16xf32>,
    %get3A_424 = arith.constant 80 : index
    %get3A_425 = tpu.vector_load %arg18[%get3A_424] {strides = array<i32>} : memref<128xf32, #tpu.memory_space<vmem>>, vector<16xf32>,
    %add3A_426 = arith.addf %get3A_412, %get3A_425 : vector<16xf32>
    %mul3A_427 = arith.mulf %broadcast_in_dim3A_310, %add3A_426 : vector<16xf32>
    %add3A_428 = arith.addf %get3A_423, %mul3A_427 : vector<16xf32>
    %swap3A_429 = arith.constant 80 : index
    %swap3A_430 = tpu.vector_load %arg21[%swap3A_429] {strides = array<i32>} : memref<128xf32, #tpu.memory_space<vmem>>, vector<16xf32>,
    tpu.vector_store %arg21[%swap3A_429], %add3A_428 {strides = array<i32>} : memref<128xf32, #tpu.memory_space<vmem>>, vector<16xf32>,
    %get3A_431 = arith.constant 96 : index
    %get3A_432 = tpu.vector_load %arg19[%get3A_431] {strides = array<i32>} : memref<128xf32, #tpu.memory_space<vmem>>, vector<16xf32>,
    %get3A_433 = arith.constant 96 : index
    %get3A_434 = tpu.vector_load %arg20[%get3A_433] {strides = array<i32>} : memref<128xf32, #tpu.memory_space<vmem>>, vector<16xf32>,
    %get3A_435 = arith.constant 96 : index
    %get3A_436 = tpu.vector_load %arg17[%get3A_435] {strides = array<i32>} : memref<128xf32, #tpu.memory_space<vmem>>, vector<16xf32>,
    %add3A_437 = arith.addf %get3A_432, %get3A_436 : vector<16xf32>
    %mul3A_438 = arith.mulf %broadcast_in_dim3A_310, %add3A_437 : vector<16xf32>
    %add3A_439 = arith.addf %get3A_434, %mul3A_438 : vector<16xf32>
    %swap3A_440 = arith.constant 96 : index
    %swap3A_441 = tpu.vector_load %arg20[%swap3A_440] {strides = array<i32>} : memref<128xf32, #tpu.memory_space<vmem>>, vector<16xf32>,
    tpu.vector_store %arg20[%swap3A_440], %add3A_439 {strides = array<i32>} : memref<128xf32, #tpu.memory_space<vmem>>, vector<16xf32>,
    %get3A_442 = arith.constant 96 : index
    %get3A_443 = tpu.vector_load %arg21[%get3A_442] {strides = array<i32>} : memref<128xf32, #tpu.memory_space<vmem>>, vector<16xf32>,
    %get3A_444 = arith.constant 96 : index
    %get3A_445 = tpu.vector_load %arg18[%get3A_444] {strides = array<i32>} : memref<128xf32, #tpu.memory_space<vmem>>, vector<16xf32>,
    %add3A_446 = arith.addf %get3A_432, %get3A_445 : vector<16xf32>
    %mul3A_447 = arith.mulf %broadcast_in_dim3A_310, %add3A_446 : vector<16xf32>
    %add3A_448 = arith.addf %get3A_443, %mul3A_447 : vector<16xf32>
    %swap3A_449 = arith.constant 96 : index
    %swap3A_450 = tpu.vector_load %arg21[%swap3A_449] {strides = array<i32>} : memref<128xf32, #tpu.memory_space<vmem>>, vector<16xf32>,
    tpu.vector_store %arg21[%swap3A_449], %add3A_448 {strides = array<i32>} : memref<128xf32, #tpu.memory_space<vmem>>, vector<16xf32>,
    %get3A_451 = arith.constant 112 : index
    %get3A_452 = tpu.vector_load %arg19[%get3A_451] {strides = array<i32>} : memref<128xf32, #tpu.memory_space<vmem>>, vector<16xf32>,
    %get3A_453 = arith.constant 112 : index
    %get3A_454 = tpu.vector_load %arg20[%get3A_453] {strides = array<i32>} : memref<128xf32, #tpu.memory_space<vmem>>, vector<16xf32>,
    %get3A_455 = arith.constant 112 : index
    %get3A_456 = tpu.vector_load %arg17[%get3A_455] {strides = array<i32>} : memref<128xf32, #tpu.memory_space<vmem>>, vector<16xf32>,
    %add3A_457 = arith.addf %get3A_452, %get3A_456 : vector<16xf32>
    %mul3A_458 = arith.mulf %broadcast_in_dim3A_310, %add3A_457 : vector<16xf32>
    %add3A_459 = arith.addf %get3A_454, %mul3A_458 : vector<16xf32>
    %swap3A_460 = arith.constant 112 : index
    %swap3A_461 = tpu.vector_load %arg20[%swap3A_460] {strides = array<i32>} : memref<128xf32, #tpu.memory_space<vmem>>, vector<16xf32>,
    tpu.vector_store %arg20[%swap3A_460], %add3A_459 {strides = array<i32>} : memref<128xf32, #tpu.memory_space<vmem>>, vector<16xf32>,
    %get3A_462 = arith.constant 112 : index
    %get3A_463 = tpu.vector_load %arg21[%get3A_462] {strides = array<i32>} : memref<128xf32, #tpu.memory_space<vmem>>, vector<16xf32>,
    %get3A_464 = arith.constant 112 : index
    %get3A_465 = tpu.vector_load %arg18[%get3A_464] {strides = array<i32>} : memref<128xf32, #tpu.memory_space<vmem>>, vector<16xf32>,
    %add3A_466 = arith.addf %get3A_452, %get3A_465 : vector<16xf32>
    %mul3A_467 = arith.mulf %broadcast_in_dim3A_310, %add3A_466 : vector<16xf32>
    %add3A_468 = arith.addf %get3A_463, %mul3A_467 : vector<16xf32>
    %swap3A_469 = arith.constant 112 : index
    %swap3A_470 = tpu.vector_load %arg21[%swap3A_469] {strides = array<i32>} : memref<128xf32, #tpu.memory_space<vmem>>, vector<16xf32>,
    tpu.vector_store %arg21[%swap3A_469], %add3A_468 {strides = array<i32>} : memref<128xf32, #tpu.memory_space<vmem>>, vector<16xf32>,
    %dma_start3A_471 = tpu.memref_slice %arg8[%mul3A_2] : memref<4096xf32, #tpu.memory_space<hbm>> -> memref<128xf32, #tpu.memory_space<hbm>>
    %dma_start3A_472 = tpu.memref_slice %arg8[%mul3A_2] : memref<4096xf32, #tpu.memory_space<hbm>> -> memref<128xf32, #tpu.memory_space<hbm>>
    tpu.enqueue_dma source(%arg20 : memref<128xf32, #tpu.memory_space<vmem>>) target(%dma_start3A_472 : memref<128xf32, #tpu.memory_space<hbm>>) target_semaphore(%arg26 : memref<!tpu.dma_semaphore, #tpu.memory_space<semaphore_mem>>)
    %dma_start3A_473 = tpu.memref_slice %arg9[%mul3A_2] : memref<4096xf32, #tpu.memory_space<hbm>> -> memref<128xf32, #tpu.memory_space<hbm>>
    %dma_start3A_474 = tpu.memref_slice %arg9[%mul3A_2] : memref<4096xf32, #tpu.memory_space<hbm>> -> memref<128xf32, #tpu.memory_space<hbm>>
    tpu.enqueue_dma source(%arg21 : memref<128xf32, #tpu.memory_space<vmem>>) target(%dma_start3A_474 : memref<128xf32, #tpu.memory_space<hbm>>) target_semaphore(%arg26 : memref<!tpu.dma_semaphore, #tpu.memory_space<semaphore_mem>>)
    %dma_wait3A_475 = tpu.memref_slice %arg8[%mul3A_2] : memref<4096xf32, #tpu.memory_space<hbm>> -> memref<128xf32, #tpu.memory_space<hbm>>
    %dma_wait3A_476 = tpu.memref_slice %arg8[%mul3A_2] : memref<4096xf32, #tpu.memory_space<hbm>> -> memref<128xf32, #tpu.memory_space<hbm>>
    tpu.wait_dma2 semaphore(%arg26 : memref<!tpu.dma_semaphore, #tpu.memory_space<semaphore_mem>>) src(%arg20 : memref<128xf32, #tpu.memory_space<vmem>>) dst(%dma_wait3A_476 : memref<128xf32, #tpu.memory_space<hbm>>)
    %dma_wait3A_477 = tpu.memref_slice %arg9[%mul3A_2] : memref<4096xf32, #tpu.memory_space<hbm>> -> memref<128xf32, #tpu.memory_space<hbm>>
    %dma_wait3A_478 = tpu.memref_slice %arg9[%mul3A_2] : memref<4096xf32, #tpu.memory_space<hbm>> -> memref<128xf32, #tpu.memory_space<hbm>>
    tpu.wait_dma2 semaphore(%arg26 : memref<!tpu.dma_semaphore, #tpu.memory_space<semaphore_mem>>) src(%arg21 : memref<128xf32, #tpu.memory_space<vmem>>) dst(%dma_wait3A_478 : memref<128xf32, #tpu.memory_space<hbm>>)
    return
  }
}

</mosaic_0001>

<sc_bundles>
// kernel: kernel.3.cloned.1.call-start
scs
__scs_entry_jumppad:
0x0: {  	(pc) =	sbr.rel $0x88, $3  }
0x1: {  	(tag) =	ssettag $0x0;
	lr =	simm.s32 $0x1  }
0x2: {  	[smem:$0x3F9B] =	sst lr;
	_ =	strace $0xD0000000  }
0x3: {  	_ = 	snop  }
0x4: {  	_ = 	snop  }
0x5: {  	_ = 	snop  }
0x6: {  	_ = 	snop  }
0x7: {  	_ = 	snop  }
__scs_overlays_trampoline_lowered:
0x8: {  	[smem:$0x3FAA] =	sst s0  }
0x9: {  	[smem:$0x3FAB] =	sst s1  }
0xa: {  	[smem:$0x3FAC] =	sst s2  }
0xb: {  	[smem:$0x3FAD] =	sst s3  }
0xc: {  	[smem:$0x3FAE] =	sst s4  }
0xd: {  	[smem:$0x3FAF] =	sst s5  }
0xe: {  	[smem:$0x3FB0] =	sst s6  }
0xf: {  	[smem:$0x3FB1] =	sst s7  }
0x10: {  	[smem:$0x3FB2] =	sst s8  }
0x11: {  	[smem:$0x3FB3] =	sst s9;
	s0 =	simm.s32 @!p0 $0x0  }
0x12: {  	s1 =	sld [smem:$0x3F99];
	s0 =	simm.s32 @p0 $0x1  }
0x13: {  	[smem:$0x3FB4] =	sst s0;
	s0 =	simm.s32 @!p1 $0x0  }
0x14: {  	s2 =	sld [smem:$0x3F98];
	s0 =	simm.s32 @p1 $0x1  }
0x15: {  	[smem:$0x3FB5] =	sst s0;
	s0 =	simm.s32 @!p2 $0x0  }
0x16: {  	s3 =	sld [smem:$0x3FDB];
	s0 =	simm.s32 @p2 $0x1  }
0x17: {  	s4 =	simm.s32 $0x1BF5;
	[smem:$0x3FB7] =	sst s0  }
0x18: {  	s0 =	sld [smem:$0x3F9A];
	_ =	swait.ge [sflag:s4], $0x0  }
0x19: {  	s7 =	sld [smem:$0x3F9B]  }
0x1a: {  	s8 =	sadd.s32 $0xFFFFE003, lr  }
0x1b: {  	s9 =	sadd.s32 $0xFFFFFEF7, lr;
	s5 =	simm.s32 $0xFFFFFFFF;
	p2 =	slt.u32 s8, $0xFFFFF086  }
0x1c: {  	p1 =	slt.u32 s9, $0xF7A;
	s5 =	simm.s32 @!p2 $0x0  }
0x1d: {  	s5 =	simm.s32 @p1 $0x1;
	p0 =	seq.s32 s7, s2  }
0x1e: {  	s7 =	smul.u32 @!p0 $0xF7A, s2;
	p2 =	seq.s32 @!p0 s5, $0x0  }
0x1f: {  	s9 =	smul.u32 $0xF7A, s1;
	s8 =	simm.s32 @!p0 $0x1BF5;
	p2 =	por !p2, p0  }
0x20: {  	[sflag:s8] =	ssyncset.s32 @!p0 $0xFFFFF086;
	s6 =	sadd.s32 @!p0 s3, s7;
	s7 =	simm.s32 @!p0 $0x108  }
0x21: {  	s3 =	sadd.s32 s3, s9;
	s6 =	sadd.s32 @!p0 $0x88, s6;
	s7 =	simm.s32 @p2 $0x1082  }
0x22: {  	[simem:s7], [sflag:s8] =	dma.local @!p0 [hbm:s6], $0xF7A  }
0x23: {  	s9 =	sor.u32 $0xD0000000, s2;
	s6 =	simm.s32 $0x108;
	_ =	swait.ge @!p0 [sflag:s8], $0x0  }
0x24: {  	s3 =	sadd.s32 $0x88, s3;
	s6 =	simm.s32 @!p1 $0x1082;
	[sflag:s4] =	ssyncset.s32 $0xFFFFF086  }
0x25: {  	[simem:s6], [sflag:s4] =	dma.local [hbm:s3], $0xF7A  }
0x26: {  	[smem:$0x3F9B] =	sst s1;
	(tag) =	ssettag s2;
	_ =	strace s9  }
0x27: {  	s1 =	sld [smem:$0x3FAB]  }
0x28: {  	s2 =	sld [smem:$0x3FAC]  }
0x29: {  	s4 =	sld [smem:$0x3FAE]  }
0x2a: {  	p0 =	seq.s32 s5, $0x0;
	s5 =	sld [smem:$0x3FAF]  }
0x2b: {  	s6 =	sld [smem:$0x3FB0]  }
0x2c: {  	s7 =	sld [smem:$0x3FB1]  }
0x2d: {  	s3 =	simm.s32 $0x108;
	s8 =	sld [smem:$0x3FB2]  }
0x2e: {  	s3 =	simm.s32 @!p0 $0x1082;
	s9 =	sld [smem:$0x3FB3]  }
0x2f: {  	lr =	sadd.s32 s0, s3;
	s0 =	sld [smem:$0x3FAA]  }
0x30: {  	s3 =	sld [smem:$0x3FAD]  }
0x31: {  	[smem:$0x3FB6] =	sst s10  }
0x32: {  	s10 =	sld [smem:$0x3FB4];
	_ =	sdelay $0x3  }
0x33: {  	p0 =	seq.s32 s10, $0x1;
	s10 =	sld [smem:$0x3FB6];
	_ =	sdelay $0x3  }
0x34: {  	[smem:$0x3FB6] =	sst s10  }
0x35: {  	s10 =	sld [smem:$0x3FB5];
	_ =	sdelay $0x3  }
0x36: {  	p1 =	seq.s32 s10, $0x1;
	s10 =	sld [smem:$0x3FB6];
	_ =	sdelay $0x3  }
0x37: {  	[smem:$0x3FB6] =	sst s10  }
0x38: {  	s10 =	sld [smem:$0x3FB7]  }
0x39: {  	_ = 	snop;
	(pc) =	sbr.ind lr, $3  }
0x3a: {  	_ = 	snop  }
0x3b: {  	_ = 	snop  }
0x3c: {  	p2 =	seq.s32 s10, $0x1;
	s10 =	sld [smem:$0x3FB6]  }
0x3d: {  	_ =	shalt  }
0x3e: {  	_ =	shalt  }
0x3f: {  	_ =	shalt  }
0x40: {  	_ =	shalt  }
0x41: {  	_ =	shalt  }
0x42: {  	_ =	shalt  }
0x43: {  	_ =	shalt  }
0x44: {  	_ =	shalt  }
0x45: {  	_ =	shalt  }
0x46: {  	_ =	shalt  }
0x47: {  	_ =	shalt  }
0x48: {  	_ =	shalt  }
0x49: {  	_ =	shalt  }
0x4a: {  	_ =	shalt  }
0x4b: {  	_ =	shalt  }
0x4c: {  	_ =	shalt  }
0x4d: {  	_ =	shalt  }
0x4e: {  	_ =	shalt  }
0x4f: {  	_ =	shalt  }
0x50: {  	_ =	shalt  }
0x51: {  	_ =	shalt  }
0x52: {  	_ =	shalt  }
0x53: {  	_ =	shalt  }
0x54: {  	_ =	shalt  }
0x55: {  	_ =	shalt  }
0x56: {  	_ =	shalt  }
0x57: {  	_ =	shalt  }
0x58: {  	_ =	shalt  }
0x59: {  	_ =	shalt  }
0x5a: {  	_ =	shalt  }
0x5b: {  	_ =	shalt  }
0x5c: {  	_ =	shalt  }
0x5d: {  	_ =	shalt  }
0x5e: {  	_ =	shalt  }
0x5f: {  	_ =	shalt  }
0x60: {  	_ =	shalt  }
0x61: {  	_ =	shalt  }
0x62: {  	_ =	shalt  }
0x63: {  	_ =	shalt  }
0x64: {  	_ =	shalt  }
0x65: {  	_ =	shalt  }
0x66: {  	_ =	shalt  }
0x67: {  	_ =	shalt  }
0x68: {  	_ =	shalt  }
0x69: {  	_ =	shalt  }
0x6a: {  	_ =	shalt  }
0x6b: {  	_ =	shalt  }
0x6c: {  	_ =	shalt  }
0x6d: {  	_ =	shalt  }
0x6e: {  	_ =	shalt  }
0x6f: {  	_ =	shalt  }
0x70: {  	_ =	shalt  }
0x71: {  	_ =	shalt  }
0x72: {  	_ =	shalt  }
0x73: {  	_ =	shalt  }
0x74: {  	_ =	shalt  }
0x75: {  	_ =	shalt  }
0x76: {  	_ =	shalt  }
0x77: {  	_ =	shalt  }
0x78: {  	_ =	shalt  }
0x79: {  	_ =	shalt  }
0x7a: {  	_ =	shalt  }
0x7b: {  	_ =	shalt  }
0x7c: {  	_ =	shalt  }
0x7d: {  	_ =	shalt  }
0x7e: {  	_ =	shalt  }
0x7f: {  	_ =	shalt  }
0x80: {  	_ =	shalt  }
0x81: {  	_ =	shalt  }
0x82: {  	_ =	shalt  }
0x83: {  	_ =	shalt  }
0x84: {  	_ =	shalt  }
0x85: {  	_ =	shalt  }
0x86: {  	_ =	shalt  }
0x87: {  	_ =	shalt  }
.Lfunc_end0:
.L_simem_size_0:
called_computation_lowered:
.L_overlay_start_0:
0x88: {  	s2 =	sld [smem:$0x3FD9]  }
0x89: {  	s3 =	sld [smem:$0x3FFE];
	_ =	sdelay $0x1  }
0x8a: {  	s1 =	srdreg.scid  }
0x8b: {  	s0 =	sand.u32 $0x1, s1  }
0x8c: {  	s14 =	sshll.u32 s0, $0xA;
	s2 =	sadd.s32 s3, s2  }
0x8d: {  	s2 =	sadd.s32 s2, s14  }
0x8e: {  	[smem:$0x3FC2] =	sst s2  }
0x8f: {  	_ = 	snop  }
0x90: {  	s2 =	sld [smem:$0x3FC9]  }
0x91: {  	s15 =	sld [smem:$0x3FD0]  }
0x92: {  	s4 =	sld [smem:$0x3FC8]  }
0x93: {  	s5 =	sld [smem:$0x3FC7]  }
0x94: {  	s7 =	simm.s32 $0xA;
	s8 =	simm.s32 $0x10;
	s6 =	sld [smem:$0x3FC6]  }
0x95: {  	[smem:s8], [sflag:s7] =	dma.local [hbm:s15], $0x1  }
0x96: {  	_ =	swait.eq [sflag:s7], $0x1  }
0x97: {  	[sflag:s7] =	ssyncset.done $0x0  }
0x98: {  	s16 =	sld [smem:$0x10];
	[sflag:s7] =	ssyncadd.s32 $0xFFFFFFFF  }
0x99: {  	s17 =	sld [smem:$0x11];
	(tm) =	ssettm $0x1  }
0x9a: {  	s18 =	sld [smem:$0x3FFB];
	_ =	sdelay $0x3  }
0x9b: {  	_ =	strace s18  }
0x9c: {  	s8 =	sld [smem:$0x3FFC];
	_ =	sdelay $0x3  }
0x9d: {  	_ =	strace s8  }
0x9e: {  	s8 =	sld [smem:$0x3FFD];
	_ =	sdelay $0x3  }
0x9f: {  	_ =	strace s8  }
0xa0: {  	_ =	strace $0x8FFFFFFF  }
0xa1: {  	s19 =	sld [smem:$0x3FDB];
	_ =	sdelay $0x1  }
0xa2: {  	s9 =	simm.s32 $_scs_section_size  }
0xa3: {  	s10 =	simm.s32 $_size__tile_overlayer_lowered;
	s11 =	simm.s32 $_tile_overlayer_lowered  }
0xa4: {  	s22 =	simm.s32 $0x1BFF;
	s21 =	sshll.u32 s11, $0x1;
	s8 =	sadd.s32 s9, s19  }
0xa5: {  	s12 =	simm.s32 $0x0;
	s20 =	sshll.u32 s10, $0x1;
	s10 =	sadd.s32 s21, s8  }
0xa6: {  	[timem:s12], [sflag:s22] =	dma.local [hbm:s10], s20  }
0xa7: {  	_ =	swait.ge [sflag:s22], s20  }
0xa8: {  	s9 =	ssub.s32 $0x0, s20;
	[sflag:s22] =	ssyncset.done $0x0  }
0xa9: {  	[sflag:s22] =	ssyncadd.s32 s9;
	_ =	sdelay $0x1  }
0xaa: {  	s23 =	simm.s32 $0x1B8B  }
0xab: {  	_ =	swait.ge [sflag:s23], $0x1  }
0xac: {  	[sflag:s23] =	ssyncset.done $0x0  }
0xad: {  	s25 =	simm.s32 $0x1B8E;
	s24 =	sld [smem:$0x3FFE];
	[sflag:s23] =	ssyncadd.s32 $0xFFFFFFFF  }
0xae: {  	s26 =	simm.s32 $execute0_lowered;
	[smem:$0x3FD2] =	sst s25  }
0xaf: {  	s10 =	sshll.u32 s26, $0x1;
	_ =	strace $0x80000046;
	[dreg:$0x1] =	wrdreg $0xFFFFFFFF  }
0xb0: {  	s28 =	simm.s32 $_size_execute0_lowered;
	s8 =	sadd.s32 s8, s10;
	[dreg:$0x0] =	wrdreg $0x0  }
0xb1: {  	s10 =	sshll.u32 s28, $0x1;
	[dreg:$0x2] =	wrdreg s8  }
0xb2: {  	[dreg:$0x3] =	wrdreg s10  }
0xb3: {  	[dreg:$0x4] =	wrdreg $0xC0  }
0xb4: {  	_ =	task [dreg:s12], $0x5FFFF  }
0xb5: {  	[dreg:$0x1] =	wrdreg $0xFFFFFFFF  }
0xb6: {  	[dreg:$0x0] =	wrdreg $0x60  }
0xb7: {  	[dreg:$0x2] =	wrdreg s2  }
0xb8: {  	[dreg:$0x3] =	wrdreg s4  }
0xb9: {  	[dreg:$0x4] =	wrdreg s5  }
0xba: {  	[dreg:$0x5] =	wrdreg s6  }
0xbb: {  	[dreg:$0x6] =	wrdreg s24  }
0xbc: {  	[dreg:$0x7] =	wrdreg s16  }
0xbd: {  	[dreg:$0x8] =	wrdreg s17  }
0xbe: {  	[dreg:$0x9] =	wrdreg $0x9  }
0xbf: {  	_ =	task.clear_ibuf [dreg:s12], $0xAFFFF;
	_ =	strace $0x90000046  }
0xc0: {  	s29 =	simm.s32 $0x9;
	_ =	strace $0x80000048  }
0xc1: {  	_ =	swait.ge [sflag:s29], $0x1  }
0xc2: {  	[sflag:s29] =	ssyncadd.s32 $0xFFFFFFFF  }
0xc3: {  	_ =	strace $0x90000048  }
0xc4: {  	_ =	sfence  }
0xc5: {  	s30 =	sld [smem:$0x0];
	_ =	sdelay $0x2  }
0xc6: {  	s31 =	sshll.u32 s1, $0xD;
	s1 =	sshrl.u32 s1, $0x2  }
0xc7: {  	s3 =	sand.u32 $0x4000, s31;
	s1 =	sadd.s32 s1, s30  }
0xc8: {  	s0 =	sor.u32 s3, s0;
	s1 =	sshll.u32 s1, $0x11  }
0xc9: {  	s0 =	sor.u32 s1, s0  }
0xca: {  	s0 =	sadd.s32 $0x8F2B, s0  }
0xcb: {  	[sflag:s0] =	ssyncadd.remote.s32 $0x1  }
0xcc: {  	_ =	sfence.sel $0xFFFF  }
0xcd: {  	[dreg:$0x0] =	wrdreg $0xFFFFFFFF;
	(pc) =	sbr.abs _section_cstart, $3  }
0xce: {  	[dreg:$0x1] =	wrdreg $0xFFFFFFFF  }
0xcf: {  	_ =	task.clear_ibuf [dreg:s12], $0x2FFFF;
	_ =	strace $0x9FFFFFFF  }
0xd0: {  	(tm) =	ssettm $0x7FFFFFFF  }
0xd1: {  	_ =	shalt  }
tec
execute0_lowered:
.L_overlay_start_1:
0x0: {  	(tag) =	ssettag $0x1  }
0x1: {  	s0 =	rddreg [dreg:$0x0]  }
0x2: {  	s2 =	rddreg [dreg:$0x1]  }
0x3: {  	s8 =	rddreg [dreg:$0x2]  }
0x4: {  	s1 =	rddreg [dreg:$0x3]  }
0x5: {  	s5 =	rddreg [dreg:$0x4]  }
0x6: {  	s9 =	rddreg [dreg:$0x5]  }
0x7: {  	s10 =	rddreg [dreg:$0x6];
	s3 =	simm.s32 $0x0  }
0x8: {  	s4 =	srdreg.scid;
	s7 =	stileid.u32;
	s13 =	simm.s32 $0x4000  }
0x9: {  	s14 =	simm.s32 $0x4100;
	s15 =	simm.s32 $0x5;
	s16 =	simm.s32 $0x20  }
0xa: {  	s24 =	simm.s32 $0x4180;
	s25 =	simm.s32 $0x4300;
	s26 =	simm.s32 $0x1  }
0xb: {  	s28 =	simm.s32 $0x4400;
	s29 =	simm.s32 $0x4480;
	s30 =	simm.s32 $0x2  }
0xc: {  	s31 =	simm.s32 $0x3;
	[smem:$0x7FF] =	sst s3;
	s4 =	sand.u32 $0x1, s4  }
0xd: {  	s7 =	sshll.u32 s7, $0x5;
	_ =	strace $0x80000047;
	s6 =	ssub.s32 $0x2, s4  }
0xe: {  	s11 =	sshll.u32 s4, $0x4;
	s4 =	sadd.s32 $0x10A00, s5;
	s12 =	sshrl.u32 s6, $0x1  }
0xf: {  	s5 =	sadd.s32 $0xA00, s5;
	s11 =	sor.u32 s11, s7;
	s12 =	ssub.s32 s6, s12  }
0x10: {  	vm0 =	vcmask $0x3F3C;
	s6 =	sadd.s32 s0, s11;
	s7 =	sadd.s32 s2, s11;
	s8 =	sadd.s32 s8, s11  }
0x11: {  	s9 =	sadd.s32 s9, s11;
	s10 =	sadd.s32 s10, s11;
	s0 =	simm.s32 $0x4  }
0x12: {  	s2 =	simm.s32 $0x0;
	s11 =	smax.u32 s12, $0x1;
	s12 =	simm.s32 $0x4200  }
.LBB2_1:
0x13: {  	[tilespmem:s12], [sflag:$0x5] =	stream.linear.gather [hbm4b:s6+s3], $0x80, $0x38;
	[tilespmem:$0x6500] =	vst v63  }
0x14: {  	_ = 	snop  }
0x15: {  	[tilespmem:s13], [sflag:$0x5] =	stream.linear.gather [hbm4b:s7+s3], $0x80, $0x38;
	[tilespmem:$0x6500] =	vst v63  }
0x16: {  	_ = 	snop  }
0x17: {  	[tilespmem:s14], [sflag:$0x5] =	stream.linear.gather [hbm4b:s8+s3], $0x80, $0x38;
	[tilespmem:$0x6500] =	vst v63  }
0x18: {  	_ =	swait.ge [sflag:s15], $0x80  }
0x19: {  	[sflag:s15] =	ssyncset.done $0x0  }
0x1a: {  	[sflag:s15] =	ssyncadd.s32 $0xFFFFFF80  }
0x1b: {  	_ =	swait.ge [sflag:s15], $0x80  }
0x1c: {  	[sflag:s15] =	ssyncset.done $0x0  }
0x1d: {  	[sflag:s15] =	ssyncadd.s32 $0xFFFFFF80  }
0x1e: {  	_ =	swait.ge [sflag:s15], $0x80  }
0x1f: {  	[sflag:s15] =	ssyncset.done $0x0  }
0x20: {  	s17 =	simm.s32 $0x4500;
	[sflag:s15] =	ssyncadd.s32 $0xFFFFFF80  }
0x21: {  	[tilespmem:s17], [sflag:$0x1] =	stream.indirect.gather [hbm4b:s4+s16], $0x40, s12, s16, $0xb8;
	[tilespmem:$0x6500] =	vst v63  }
0x22: {  	_ = 	snop  }
0x23: {  	[tilespmem:s3], [sflag:$0x1] =	stream.indirect.gather [hbm4b:s5+s16], $0x40, s13, s16, $0xb8;
	[tilespmem:$0x6500] =	vst v63  }
0x24: {  	s18 =	simm.s32 $0x2000  }
0x25: {  	[tilespmem:s18], [sflag:$0x1] =	stream.indirect.gather [hbm4b:s5+s16], $0x40, s14, s16, $0xb8;
	[tilespmem:$0x6500] =	vst v63  }
0x26: {  	s19 =	simm.s32 $0x4220;
	s18 =	simm.s32 $0x4D00  }
0x27: {  	[tilespmem:s18], [sflag:$0x2] =	stream.indirect.gather [hbm4b:s4+s16], $0x40, s19, s16, $0xb8;
	[tilespmem:$0x6500] =	vst v63  }
0x28: {  	s20 =	simm.s32 $0x4020;
	s21 =	simm.s32 $0x800  }
0x29: {  	[tilespmem:s21], [sflag:$0x2] =	stream.indirect.gather [hbm4b:s5+s16], $0x40, s20, s16, $0xb8;
	[tilespmem:$0x6500] =	vst v63  }
0x2a: {  	s22 =	simm.s32 $0x4120;
	s23 =	simm.s32 $0x2800  }
0x2b: {  	[tilespmem:s23], [sflag:$0x2] =	stream.indirect.gather [hbm4b:s5+s16], $0x40, s22, s16, $0xb8;
	[tilespmem:$0x6500] =	vst v63  }
0x2c: {  	s18 =	simm.s32 $0x4240;
	s19 =	simm.s32 $0x5500  }
0x2d: {  	[tilespmem:s19], [sflag:$0x3] =	stream.indirect.gather [hbm4b:s4+s16], $0x40, s18, s16, $0xb8;
	[tilespmem:$0x6500] =	vst v63  }
0x2e: {  	s20 =	simm.s32 $0x4040;
	s21 =	simm.s32 $0x1000  }
0x2f: {  	[tilespmem:s21], [sflag:$0x3] =	stream.indirect.gather [hbm4b:s5+s16], $0x40, s20, s16, $0xb8;
	[tilespmem:$0x6500] =	vst v63  }
0x30: {  	s22 =	simm.s32 $0x4140;
	s23 =	simm.s32 $0x3000  }
0x31: {  	[tilespmem:s23], [sflag:$0x3] =	stream.indirect.gather [hbm4b:s5+s16], $0x40, s22, s16, $0xb8;
	[tilespmem:$0x6500] =	vst v63  }
0x32: {  	s18 =	simm.s32 $0x4260;
	s19 =	simm.s32 $0x5D00  }
0x33: {  	[tilespmem:s19], [sflag:$0x4] =	stream.indirect.gather [hbm4b:s4+s16], $0x40, s18, s16, $0xb8;
	[tilespmem:$0x6500] =	vst v63  }
0x34: {  	s20 =	simm.s32 $0x4060;
	s21 =	simm.s32 $0x1800  }
0x35: {  	[tilespmem:s21], [sflag:$0x4] =	stream.indirect.gather [hbm4b:s5+s16], $0x40, s20, s16, $0xb8;
	[tilespmem:$0x6500] =	vst v63  }
0x36: {  	s22 =	simm.s32 $0x4160;
	s23 =	simm.s32 $0x3800  }
0x37: {  	[tilespmem:s23], [sflag:$0x4] =	stream.indirect.gather [hbm4b:s5+s16], $0x40, s22, s16, $0xb8;
	[tilespmem:$0x6500] =	vst v63  }
0x38: {  	v0 =	vld [tilespmem:$0x4000]  }
0x39: {  	v1 =	vld [tilespmem:$0x4100]  }
0x3a: {  	v2 =	vld [tilespmem:$0x4010]  }
0x3b: {  	v3 =	vld [tilespmem:$0x4110]  }
0x3c: {  	v4 =	vld [tilespmem:$0x4020]  }
0x3d: {  	v5 =	vld [tilespmem:$0x4120];
	v0 =	vadd.s32 $0x1000, v0  }
0x3e: {  	[tilespmem:$0x4080] =	vst v0;
	v0 =	vadd.s32 $0x1000, v1;
	v1 =	vld [tilespmem:$0x4030]  }
0x3f: {  	[tilespmem:$0x4180] =	vst v0;
	v0 =	vadd.s32 $0x1000, v2;
	v2 =	vld [tilespmem:$0x4130]  }
0x40: {  	[tilespmem:$0x4090] =	vst v0;
	v0 =	vadd.s32 $0x1000, v3;
	v3 =	vld [tilespmem:$0x4040]  }
0x41: {  	[tilespmem:$0x4190] =	vst v0;
	v0 =	vadd.s32 $0x1000, v4;
	v4 =	vld [tilespmem:$0x4140]  }
0x42: {  	[tilespmem:$0x40A0] =	vst v0;
	v0 =	vadd.s32 $0x1000, v5;
	v5 =	vld [tilespmem:$0x4050]  }
0x43: {  	[tilespmem:$0x41A0] =	vst v0;
	v0 =	vadd.s32 $0x1000, v1;
	v1 =	vld [tilespmem:$0x4150]  }
0x44: {  	[tilespmem:$0x40B0] =	vst v0;
	v0 =	vadd.s32 $0x1000, v2;
	v2 =	vld [tilespmem:$0x4060]  }
0x45: {  	[tilespmem:$0x41B0] =	vst v0;
	v0 =	vadd.s32 $0x1000, v3;
	v3 =	vld [tilespmem:$0x4160]  }
0x46: {  	[tilespmem:$0x40C0] =	vst v0;
	v0 =	vadd.s32 $0x1000, v4;
	v4 =	vld [tilespmem:$0x4070]  }
0x47: {  	[tilespmem:$0x41C0] =	vst v0;
	v0 =	vadd.s32 $0x1000, v5;
	v5 =	vld [tilespmem:$0x4170]  }
0x48: {  	[tilespmem:$0x40D0] =	vst v0;
	v0 =	vadd.s32 $0x1000, v1  }
0x49: {  	[tilespmem:$0x41D0] =	vst v0;
	v0 =	vadd.s32 $0x1000, v2  }
0x4a: {  	[tilespmem:$0x40E0] =	vst v0;
	v0 =	vadd.s32 $0x1000, v3  }
0x4b: {  	[tilespmem:$0x41E0] =	vst v0;
	v0 =	vadd.s32 $0x1000, v4  }
0x4c: {  	[tilespmem:$0x40F0] =	vst v0;
	v0 =	vadd.s32 $0x1000, v5  }
0x4d: {  	s17 =	simm.s32 $0x80;
	s19 =	simm.s32 $0x4380;
	[tilespmem:$0x41F0] =	vst v0  }
0x4e: {  	[tilespmem:s19], [sflag:$0x5] =	stream.indirect.gather [hbm4b:s1+s17], $0x1, s12, s17, $0xb8;
	[tilespmem:$0x6500] =	vst v63  }
0x4f: {  	s20 =	simm.s32 $0x4080;
	s19 =	simm.s32 $0x4280  }
0x50: {  	[tilespmem:s19], [sflag:$0x5] =	stream.indirect.gather [hbm4b:s1+s17], $0x1, s20, s17, $0xb8;
	[tilespmem:$0x6500] =	vst v63  }
0x51: {  	_ = 	snop  }
0x52: {  	[tilespmem:s25], [sflag:$0x5] =	stream.indirect.gather [hbm4b:s1+s17], $0x1, s24, s17, $0xb8;
	[tilespmem:$0x6500] =	vst v63  }
0x53: {  	_ =	swait.ge [sflag:s26], $0x800  }
0x54: {  	[sflag:s26] =	ssyncset.done $0x0  }
0x55: {  	[sflag:s26] =	ssyncadd.s32 $0xFFFFF800  }
0x56: {  	_ =	swait.ge [sflag:s26], $0x800  }
0x57: {  	[sflag:s26] =	ssyncset.done $0x0  }
0x58: {  	[sflag:s26] =	ssyncadd.s32 $0xFFFFF800  }
0x59: {  	_ =	swait.ge [sflag:s26], $0x800  }
0x5a: {  	[sflag:s26] =	ssyncset.done $0x0  }
0x5b: {  	s21 =	simm.s32 $0x4580;
	[sflag:s26] =	ssyncadd.s32 $0xFFFFF800  }
0x5c: {  	v0 =	vld [tilespmem:s21+$0x70]  }
0x5d: {  	v1 =	vld [tilespmem:s21+$0x60]  }
0x5e: {  	v2 =	vld [tilespmem:s21+$0x40]  }
0x5f: {  	v3 =	vld [tilespmem:s17+$0x40]  }
0x60: {  	v4 =	vld [tilespmem:s21+$0x50]  }
0x61: {  	v5 =	vld [tilespmem:s17+$0x50]  }
0x62: {  	s22 =	simm.s32 $0x2080;
	v6 =	vld [tilespmem:s17+$0x60]  }
0x63: {  	v7 =	vld [tilespmem:s22+$0x40]  }
0x64: {  	v8 =	vld [tilespmem:s22+$0x50]  }
0x65: {  	v9 =	vld [tilespmem:s17+$0x70]  }
0x66: {  	v10 =	vld [tilespmem:s22+$0x60]  }
0x67: {  	v11 =	vld [tilespmem:s17+$0xFFFFFF80]  }
0x68: {  	v12 =	vld [tilespmem:s22+$0x70]  }
0x69: {  	v13 =	vld [tilespmem:s22+$0xFFFFFF80]  }
0x6a: {  	v14 =	vld [tilespmem:s21+$0xFFFFFF90]  }
0x6b: {  	v15 =	vld [tilespmem:s17+$0xFFFFFF90]  }
0x6c: {  	v16 =	vld [tilespmem:s22+$0xFFFFFF90]  }
0x6d: {  	v17 =	vld [tilespmem:s21+$0xFFFFFFC0]  }
0x6e: {  	v18 =	vld [tilespmem:s17+$0xFFFFFFC0]  }
0x6f: {  	v19 =	vld [tilespmem:s22+$0xFFFFFFC0]  }
0x70: {  	v20 =	vld [tilespmem:s21+$0xFFFFFFD0]  }
0x71: {  	v21 =	vld [tilespmem:s17+$0xFFFFFFD0]  }
0x72: {  	v22 =	vld [tilespmem:s22+$0xFFFFFFD0]  }
0x73: {  	v23 =	vld [tilespmem:s21+$0x0]  }
0x74: {  	v24 =	vld [tilespmem:s17+$0x0]  }
0x75: {  	v25 =	vld [tilespmem:s22+$0x0]  }
0x76: {  	v26 =	vld [tilespmem:s21+$0x10]  }
0x77: {  	v27 =	vld [tilespmem:s17+$0x10]  }
0x78: {  	v28 =	vld [tilespmem:s22+$0x10]  }
0x79: {  	v29 =	vld [tilespmem:s21+$0xFFFFFF80]  }
0x7a: {  	v30 =	vld [tilespmem:s21+$0xFFFFFFA0]  }
0x7b: {  	v31 =	vld [tilespmem:s17+$0xFFFFFFA0]  }
0x7c: {  	v32 =	vld [tilespmem:s22+$0xFFFFFFA0];
	v3 =	vmul.f32 v3, v2;
	v5 =	vmul.f32 v5, v4  }
0x7d: {  	v33 =	vld [tilespmem:s21+$0xFFFFFFE0];
	v2 =	vmul.f32 v7, v2;
	v4 =	vmul.f32 v8, v4  }
0x7e: {  	v7 =	vld [tilespmem:s21+$0x20];
	v3 =	vadd.f32 v5, v3;
	v5 =	vmul.f32 v6, v1  }
0x7f: {  	v8 =	vld [tilespmem:s17+$0x20];
	v2 =	vadd.f32 v4, v2;
	v1 =	vmul.f32 v10, v1  }
0x80: {  	v54 =	vmul.f32 v27, v26;
	v6 =	vld [tilespmem:s22+$0xFFFFFFE0];
	v3 =	vadd.f32 v5, v3;
	v5 =	vmul.f32 v9, v0  }
0x81: {  	v56 =	vmul.f32 v28, v26;
	v4 =	vld [tilespmem:s22+$0x20];
	v0 =	vmul.f32 v12, v0;
	v1 =	vadd.f32 v1, v2  }
0x82: {  	v34 =	vld [tilespmem:s17+$0xFFFFFFE0];
	v59 =	vmul.f32 v32, v30;
	v2 =	vmul.f32 v15, v14;
	v3 =	vadd.f32 v5, v3  }
0x83: {  	v10 =	vld [tilespmem:s17+$0xFFFFFFB0];
	v15 =	vmul.f32 v22, v20;
	v0 =	vadd.f32 v0, v1;
	v1 =	vmul.f32 v19, v17  }
0x84: {  	v9 =	vmul.f32 v16, v14;
	v12 =	vmul.f32 v21, v20;
	v5 =	vld [tilespmem:s21+$0xFFFFFFB0];
	(xrf2) =	vadd.scan.msk.f32 $0xffff, v3  }
0x85: {  	v53 =	vld [tilespmem:s21+$0xFFFFFFF0];
	v8 =	vmul.f32 v8, v7;
	(xrf2) =	vadd.scan.msk.f32 $0xffff, v0;
	v0 =	vadd.f32 v15, v1;
	v1 =	vmul.f32 v11, v29  }
0x86: {  	v55 =	vld [tilespmem:s17+$0xFFFFFFF0];
	v6 =	vmul.f32 v6, v33;
	v4 =	vmul.f32 v4, v7  }
0x87: {  	s23 =	simm.s32 $0x3;
	v14 =	vld [tilespmem:s22+$0xFFFFFFB0];
	v3 =	vmul.f32 v18, v17;
	v1 =	vadd.f32 v2, v1;
	v2 =	vmul.f32 v31, v30  }
0x88: {  	v58 =	vmov s23;
	v57 =	vld [tilespmem:s21+$0x30];
	v11 =	vmul.f32 v13, v29;
	v15 =	vmul.f32 v25, v23  }
0x89: {  	v61 =	vld [tilespmem:s22+$0x30];
	v3 =	vadd.f32 v12, v3;
	v7 =	vmul.f32 v10, v5;
	v1 =	vadd.f32 v2, v1  }
0x8a: {  	v60 =	vmul.f32 v34, v33;
	v13 =	vld [tilespmem:s22+$0xFFFFFFF0];
	v9 =	vadd.f32 v9, v11;
	v15 =	vadd.f32 v56, v15  }
0x8b: {  	s18 =	simm.s32 $0x4680;
	v12 =	vmul.f32 v24, v23;
	v11 =	vld [tilespmem:s17+$0x30];
	v0 =	vadd.f32 v6, v0;
	v1 =	vadd.f32 v7, v1  }
0x8c: {  	v6 =	vld [tilespmem:s18+$0x40];
	v5 =	vmul.f32 v14, v5;
	v14 =	vmul.f32 v55, v53;
	v9 =	vadd.f32 v59, v9  }
0x8d: {  	v12 =	vadd.f32 v54, v12;
	v62 =	vadd.f32 v60, v3;
	v3 =	vld [tilespmem:s18+$0x60];
	(xrf2) =	vadd.scan.msk.f32 $0xffff, v1  }
0x8e: {  	s19 =	simm.s32 $0x180;
	v2 =	vld [tilespmem:s18+$0x70];
	v15 =	vadd.f32 v4, v15;
	v4 =	vadd.f32 v5, v9  }
0x8f: {  	v12 =	vadd.f32 v8, v12;
	v8 =	vld [tilespmem:s19+$0x40];
	v5 =	vmul.f32 v13, v53;
	v10, _, _ =	vpop (xrf2)  }
0x90: {  	v7 =	vld [tilespmem:s18+$0x50];
	v13 =	vadd.f32 v14, v62;
	v1 =	vmul.f32 v11, v57;
	v11 =	vmov s3;
	v14, _, _ =	vpop (xrf2);
	(xrf2) =	vadd.scan.msk.f32 $0xffff, v4  }
0x91: {  	v5 =	vadd.f32 v5, v0;
	v0 =	vand.u32 $0xFFFFFFFC, v11;
	[tilespmem:v58+s28+$0x0] =	vst.idx.msk vm0, v10;
	v10 =	vld [tilespmem:s19+$0x50]  }
0x92: {  	s20 =	simm.s32 $0x2180;
	v63 =	vmul.f32 v61, v57;
	v9 =	vld [tilespmem:s19+$0x60];
	v4 =	vadd.f32 v1, v12;
	v1 =	vbroadcast v0, $0x0  }
0x93: {  	v11 =	vld [tilespmem:s20+$0x40];
	(xrf2) =	vadd.scan.msk.f32 $0xffff, v13  }
0x94: {  	s21 =	simm.s32 $0x0;
	s22 =	simm.s32 $0x8;
	s17 =	simm.s32 $0x4;
	v0 =	vadd.f32 v63, v15;
	v12 =	vld [tilespmem:s20+$0x50];
	[tilespmem:v58+s29+$0x0] =	vst.idx.msk vm0, v14  }
.LBB2_2:
0x95: {  	p0 =	slt.u32 s22, $0x1C;
	v13 =	vld [tilespmem:s19+$0x70];
	s23 =	sadd.s32 $0x1, s21  }
0x96: {  	v8 =	vmul.f32 v8, v6;
	v10 =	vmul.f32 v10, v7;
	v14 =	vld [tilespmem:s20+$0x60];
	v15 =	vmov s23;
	(xrf2) =	vadd.scan.msk.f32 $0xffff, v5  }
0x97: {  	v5 =	vld [tilespmem:s19+$0xFFFFFF80];
	v15 =	vand.u32 $0xFFFFFFFD, v15;
	v16, _, _ =	vpop (xrf2)  }
0x98: {  	v9 =	vmul.f32 v9, v3;
	v8 =	vadd.f32 v10, v8;
	v10 =	vld [tilespmem:s20+$0x70];
	[tilespmem:v1+s28+$0x0] =	vst.idx.msk vm0, v16;
	v15 =	vbroadcast v15, $0x0  }
0x99: {  	v6 =	vmul.f32 v11, v6;
	v16 =	vld [tilespmem:s20+$0xFFFFFF80];
	v7 =	vmul.f32 v12, v7;
	(xrf2) =	vadd.scan.msk.f32 $0xffff, v4  }
0x9a: {  	v4 =	vld [tilespmem:s18+$0xFFFFFF90];
	v17 =	vadd.f32 v9, v8;
	v9 =	vmul.f32 v13, v2;
	v11, _, _ =	vpop (xrf2)  }
0x9b: {  	s23 =	sadd.s32 $0x2, s21;
	s21 =	smov.u32 s17;
	s17 =	smov.u32 s22;
	v12 =	vld [tilespmem:s19+$0xFFFFFF90];
	v6 =	vadd.f32 v7, v6;
	v3 =	vmul.f32 v14, v3;
	[tilespmem:v1+s29+$0x0] =	vst.idx.msk vm0, v11  }
0x9c: {  	v11 =	vmov s23;
	v1 =	vld [tilespmem:s20+$0xFFFFFF90];
	v7 =	vadd.f32 v9, v17  }
0x9d: {  	v9 =	vld [tilespmem:s18+$0xFFFFFFC0];
	v3 =	vadd.f32 v3, v6;
	v2 =	vmul.f32 v10, v2;
	v6 =	vand.u32 $0xFFFFFFFE, v11;
	v8, _, _ =	vpop (xrf2)  }
0x9e: {  	v10 =	vld [tilespmem:s19+$0xFFFFFFC0];
	(xrf2) =	vadd.scan.msk.f32 $0xffff, v7;
	[tilespmem:v15+s28+$0x0] =	vst.idx.msk vm0, v8;
	v6 =	vbroadcast v6, $0x0  }
0x9f: {  	v7 =	vld [tilespmem:s20+$0xFFFFFFC0];
	v2 =	vadd.f32 v2, v3  }
0xa0: {  	v3 =	vmul.f32 v12, v4;
	v8 =	vld [tilespmem:s18+$0xFFFFFFD0];
	v11, _, _ =	vpop (xrf2)  }
0xa1: {  	v1 =	vmul.f32 v1, v4;
	v4 =	vld [tilespmem:s19+$0xFFFFFFD0];
	(xrf2) =	vadd.scan.msk.f32 $0xffff, v2;
	[tilespmem:v15+s29+$0x0] =	vst.idx.msk vm0, v11  }
0xa2: {  	v2 =	vld [tilespmem:s20+$0xFFFFFFD0]  }
0xa3: {  	v10 =	vmul.f32 v10, v9;
	v11 =	vld [tilespmem:s18+$0x0];
	v12, _, _ =	vpop (xrf2)  }
0xa4: {  	v7 =	vmul.f32 v7, v9;
	v9 =	vld [tilespmem:s19+$0x0];
	[tilespmem:v6+s28+$0x0] =	vst.idx.msk vm0, v12;
	(xrf2) =	vadd.scan.msk.f32 $0xffff, v0  }
0xa5: {  	s23 =	sadd.s32 $0x3, s21;
	v0 =	vld [tilespmem:s20+$0x0]  }
0xa6: {  	v13 =	vmov s23;
	v4 =	vmul.f32 v4, v8;
	v12 =	vld [tilespmem:s18+$0x10]  }
0xa7: {  	v2 =	vmul.f32 v2, v8;
	v8 =	vld [tilespmem:s19+$0x10]  }
0xa8: {  	v4 =	vadd.f32 v4, v10;
	v10 =	vld [tilespmem:s20+$0x10];
	v14, _, _ =	vpop (xrf2)  }
0xa9: {  	v15 =	vld [tilespmem:s18+$0xFFFFFF80];
	v2 =	vadd.f32 v2, v7;
	v7 =	vmul.f32 v9, v11  }
0xaa: {  	v9 =	vld [tilespmem:s18+$0xFFFFFFA0];
	v0 =	vmul.f32 v0, v11  }
0xab: {  	v11 =	vld [tilespmem:s19+$0xFFFFFFA0];
	[tilespmem:v13+s28+$0x0] =	vst.idx.msk vm0, v14;
	v14, _, _ =	vpop (xrf2)  }
0xac: {  	v17 =	vld [tilespmem:s20+$0xFFFFFFA0];
	v18 =	vmul.f32 v8, v12;
	[tilespmem:v13+s29+$0x0] =	vst.idx.msk vm0, v14  }
0xad: {  	v13 =	vld [tilespmem:s18+$0xFFFFFFE0];
	v10 =	vmul.f32 v10, v12  }
0xae: {  	v5 =	vmul.f32 v5, v15;
	v12 =	vmul.f32 v16, v15;
	v14 =	vld [tilespmem:s19+$0xFFFFFFE0];
	v7 =	vadd.f32 v18, v7;
	v8, _, _ =	vpop (xrf2)  }
0xaf: {  	v15 =	vld [tilespmem:s20+$0xFFFFFFE0];
	v0 =	vadd.f32 v10, v0;
	[tilespmem:v6+s29+$0x0] =	vst.idx.msk vm0, v8  }
0xb0: {  	v3 =	vadd.f32 v3, v5;
	v1 =	vadd.f32 v1, v12;
	v5 =	vmul.f32 v11, v9;
	v6 =	vld [tilespmem:s18+$0x20]  }
0xb1: {  	v8 =	vmul.f32 v17, v9;
	v9 =	vld [tilespmem:s19+$0x20]  }
0xb2: {  	v3 =	vadd.f32 v5, v3;
	v5 =	vld [tilespmem:s20+$0x20]  }
0xb3: {  	v1 =	vadd.f32 v8, v1;
	v8 =	vld [tilespmem:s18+$0xFFFFFFB0];
	v10 =	vmul.f32 v14, v13  }
0xb4: {  	v11 =	vld [tilespmem:s19+$0xFFFFFFB0];
	v12 =	vmul.f32 v15, v13  }
0xb5: {  	v13 =	vld [tilespmem:s20+$0xFFFFFFB0];
	v4 =	vadd.f32 v10, v4  }
0xb6: {  	v10 =	vadd.f32 v12, v2;
	v12 =	vld [tilespmem:s18+$0xFFFFFFF0];
	v2 =	vmul.f32 v9, v6  }
0xb7: {  	v9 =	vld [tilespmem:s19+$0xFFFFFFF0];
	v5 =	vmul.f32 v5, v6  }
0xb8: {  	v6 =	vld [tilespmem:s20+$0xFFFFFFF0];
	v14 =	vadd.f32 v2, v7  }
0xb9: {  	v2 =	vmul.f32 v11, v8;
	v0 =	vadd.f32 v5, v0;
	v11 =	vld [tilespmem:s18+$0x30]  }
0xba: {  	v5 =	vmul.f32 v13, v8;
	v7 =	vld [tilespmem:s19+$0x30]  }
0xbb: {  	s18 =	sadd.s32 $0x100, s18;
	v8 =	vadd.f32 v2, v3;
	v13 =	vld [tilespmem:s20+$0x30]  }
0xbc: {  	v2 =	vld [tilespmem:s18+$0x70];
	v1 =	vadd.f32 v5, v1;
	v5 =	vmul.f32 v9, v12  }
0xbd: {  	v3 =	vld [tilespmem:s18+$0x60];
	v9 =	vmul.f32 v6, v12;
	(xrf2) =	vadd.scan.msk.f32 $0xffff, v8  }
0xbe: {  	s19 =	sadd.s32 $0x100, s19;
	v6 =	vld [tilespmem:s18+$0x40];
	v12 =	vadd.f32 v5, v4  }
0xbf: {  	v8 =	vld [tilespmem:s19+$0x40];
	v5 =	vadd.f32 v9, v10;
	v4 =	vmul.f32 v7, v11  }
.Ltmp0:
0xc0: {  	v9 =	vmov s21;
	v7 =	vld [tilespmem:s18+$0x50];
	v11 =	vmul.f32 v13, v11;
	(xrf2) =	vadd.scan.msk.f32 $0xffff, v1;
	(pc) =	sbr.rel @p0 .LBB2_2-.Ltmp0, $4  }
0xc1: {  	v1 =	vand.u32 $0xFFFFFFFC, v9;
	v10 =	vld [tilespmem:s19+$0x50];
	v4 =	vadd.f32 v4, v14  }
0xc2: {  	s20 =	sadd.s32 $0x100, s20;
	v1 =	vbroadcast v1, $0x0;
	v9 =	vld [tilespmem:s19+$0x60];
	v0 =	vadd.f32 v11, v0  }
0xc3: {  	v11 =	vld [tilespmem:s20+$0x40];
	(xrf2) =	vadd.scan.msk.f32 $0xffff, v12  }
0xc4: {  	s22 =	sadd.s32 $0x4, s22;
	v12 =	vld [tilespmem:s20+$0x50]  }
0xc5: {  	v13 =	vld [tilespmem:s19+$0x70]  }
0xc6: {  	v14 =	vld [tilespmem:s20+$0x60]  }
0xc7: {  	v15 =	vld [tilespmem:s19+$0xFFFFFF80]  }
0xc8: {  	v16 =	vld [tilespmem:s20+$0x70]  }
0xc9: {  	v17 =	vld [tilespmem:s20+$0xFFFFFF80]  }
0xca: {  	v18 =	vld [tilespmem:s18+$0xFFFFFF90]  }
0xcb: {  	v19 =	vld [tilespmem:s19+$0xFFFFFF90]  }
0xcc: {  	v20 =	vld [tilespmem:s20+$0xFFFFFF90]  }
0xcd: {  	v21 =	vld [tilespmem:s18+$0xFFFFFFC0]  }
0xce: {  	v22 =	vld [tilespmem:s19+$0xFFFFFFC0]  }
0xcf: {  	v23 =	vld [tilespmem:s20+$0xFFFFFFC0]  }
0xd0: {  	v24 =	vld [tilespmem:s18+$0xFFFFFFD0]  }
0xd1: {  	v25 =	vld [tilespmem:s19+$0xFFFFFFD0]  }
0xd2: {  	v26 =	vld [tilespmem:s20+$0xFFFFFFD0]  }
0xd3: {  	v27 =	vld [tilespmem:s18+$0x0]  }
0xd4: {  	v28 =	vld [tilespmem:s19+$0x0]  }
0xd5: {  	v29 =	vld [tilespmem:s20+$0x0]  }
0xd6: {  	v30 =	vld [tilespmem:s18+$0x10]  }
0xd7: {  	v31 =	vld [tilespmem:s19+$0x10]  }
0xd8: {  	v32 =	vld [tilespmem:s20+$0x10]  }
0xd9: {  	v33 =	vld [tilespmem:s18+$0xFFFFFF80]  }
0xda: {  	v34 =	vld [tilespmem:s18+$0xFFFFFFA0]  }
0xdb: {  	v35 =	vld [tilespmem:s19+$0xFFFFFFA0]  }
0xdc: {  	s22 =	sadd.s32 $0x1, s21;
	v36 =	vld [tilespmem:s20+$0xFFFFFFA0];
	v8 =	vmul.f32 v8, v6  }
0xdd: {  	v38 =	vld [tilespmem:s18+$0xFFFFFFE0];
	v10 =	vmul.f32 v10, v7;
	v37 =	vmov s22;
	v9 =	vmul.f32 v9, v3  }
0xde: {  	v46 =	vld [tilespmem:s19+$0x20];
	v6 =	vmul.f32 v11, v6;
	v11 =	vand.u32 $0xFFFFFFFD, v37;
	v7 =	vmul.f32 v12, v7  }
0xdf: {  	v47 =	vld [tilespmem:s20+$0x20];
	v8 =	vadd.f32 v10, v8;
	v10 =	vbroadcast v11, $0x0;
	v3 =	vmul.f32 v14, v3  }
0xe0: {  	v49 =	vld [tilespmem:s18+$0xFFFFFFB0];
	v13 =	vmul.f32 v13, v2;
	v2 =	vmul.f32 v16, v2  }
0xe1: {  	v51 =	vld [tilespmem:s19+$0xFFFFFFB0];
	v8 =	vadd.f32 v9, v8;
	v9 =	vmul.f32 v19, v18;
	v48 =	vmul.f32 v22, v21  }
0xe2: {  	v53 =	vld [tilespmem:s20+$0xFFFFFFB0];
	v50 =	vmul.f32 v25, v24;
	v52 =	vmul.f32 v28, v27  }
0xe3: {  	v55 =	vld [tilespmem:s18+$0xFFFFFFF0];
	v54 =	vmul.f32 v31, v30;
	v15 =	vmul.f32 v15, v33;
	v6 =	vadd.f32 v7, v6  }
0xe4: {  	v12 =	vld [tilespmem:s19+$0xFFFFFFE0];
	v17 =	vmul.f32 v17, v33;
	v57 =	vmul.f32 v32, v30  }
0xe5: {  	s23 =	sadd.s32 $0x2, s21;
	v56 =	vld [tilespmem:s19+$0xFFFFFFF0];
	v58 =	vmul.f32 v35, v34;
	v59 =	vmul.f32 v36, v34;
	v3 =	vadd.f32 v3, v6  }
0xe6: {  	v11 =	vld [tilespmem:s20+$0xFFFFFFE0];
	v7 =	vmov s23;
	v8 =	vadd.f32 v13, v8;
	v13 =	vmul.f32 v23, v21  }
0xe7: {  	v14 =	vld [tilespmem:s18+$0x20];
	v21 =	vadd.f32 v54, v52;
	v2 =	vadd.f32 v2, v3;
	v3 =	vmul.f32 v26, v24  }
0xe8: {  	v60 =	vld [tilespmem:s18+$0x30];
	v9 =	vadd.f32 v9, v15;
	v6 =	vmul.f32 v20, v18;
	v18 =	vadd.f32 v50, v48  }
0xe9: {  	(xrf2) =	vadd.scan.msk.f32 $0xffff, v5;
	v61 =	vld [tilespmem:s20+$0x30];
	v12 =	vmul.f32 v12, v38;
	v3 =	vadd.f32 v3, v13;
	v13 =	vmul.f32 v29, v27  }
0xea: {  	(xrf2) =	vadd.scan.msk.f32 $0xffff, v4;
	v15 =	vld [tilespmem:s20+$0xFFFFFFF0];
	v4 =	vadd.f32 v58, v9;
	v9 =	vmul.f32 v51, v49;
	v6 =	vadd.f32 v6, v17  }
0xeb: {  	v11 =	vmul.f32 v11, v38;
	(xrf2) =	vadd.scan.msk.f32 $0xffff, v8;
	v8 =	vadd.f32 v12, v18;
	v5 =	vadd.f32 v57, v13;
	v13 =	vld [tilespmem:s19+$0x30]  }
0xec: {  	v4 =	vadd.f32 v9, v4;
	v9 =	vmul.f32 v56, v55;
	(xrf2) =	vadd.scan.msk.f32 $0xffff, v2;
	v2 =	vmul.f32 v46, v14  }
0xed: {  	v6 =	vadd.f32 v59, v6;
	v3 =	vadd.f32 v11, v3;
	v11 =	vmul.f32 v53, v49  }
0xee: {  	v7 =	vand.u32 $0xFFFFFFFE, v7;
	(xrf2) =	vadd.scan.msk.f32 $0xffff, v0;
	v0 =	vmul.f32 v47, v14;
	v2 =	vadd.f32 v2, v21  }
0xef: {  	(xrf2) =	vadd.scan.msk.f32 $0xffff, v4;
	v4 =	vadd.f32 v9, v8;
	v6 =	vadd.f32 v11, v6;
	v11 =	vmul.f32 v15, v55  }
0xf0: {  	v0 =	vadd.f32 v0, v5;
	v5 =	vmul.f32 v61, v60;
	v8 =	vmul.f32 v13, v60  }
0xf1: {  	v7 =	vbroadcast v7, $0x0;
	v9, _, _ =	vpop (xrf2);
	v3 =	vadd.f32 v11, v3;
	(xrf2) =	vadd.scan.msk.f32 $0xffff, v6  }
0xf2: {  	s22 =	sadd.s32 $0x3, s17;
	v0 =	vadd.f32 v5, v0;
	(xrf2) =	vadd.scan.msk.f32 $0xffff, v4;
	v2 =	vadd.f32 v8, v2;
	v8 =	vmov s17  }
0xf3: {  	s23 =	sadd.s32 $0x1, s17;
	[tilespmem:v1+s28+$0x0] =	vst.idx.msk vm0, v9;
	v6 =	vmov s22;
	v4, _, _ =	vpop (xrf2);
	(xrf2) =	vadd.scan.msk.f32 $0xffff, v3;
	v3 =	vand.u32 $0xFFFFFFFC, v8  }
0xf4: {  	[tilespmem:v1+s29+$0x0] =	vst.idx.msk vm0, v4;
	v1, _, _ =	vpop (xrf2);
	(xrf2) =	vadd.scan.msk.f32 $0xffff, v2;
	v2 =	vbroadcast v3, $0x0;
	v3 =	vmov s23  }
0xf5: {  	[tilespmem:v10+s28+$0x0] =	vst.idx.msk vm0, v1;
	v1, _, _ =	vpop (xrf2);
	(xrf2) =	vadd.scan.msk.f32 $0xffff, v0  }
0xf6: {  	s19 =	sadd.s32 $0x2, s17;
	[tilespmem:v10+s29+$0x0] =	vst.idx.msk vm0, v1;
	v0, _, _ =	vpop (xrf2);
	v1 =	vand.u32 $0xFFFFFFFD, v3  }
0xf7: {  	[tilespmem:v7+s28+$0x0] =	vst.idx.msk vm0, v0;
	v0 =	vbroadcast v1, $0x0;
	v1 =	vmov s19;
	v3, _, _ =	vpop (xrf2)  }
0xf8: {  	v1 =	vand.u32 $0xFFFFFFFE, v1;
	v4, _, _ =	vpop (xrf2);
	[tilespmem:v6+s28+$0x0] =	vst.idx.msk vm0, v3  }
0xf9: {  	v1 =	vbroadcast v1, $0x0;
	v3, _, _ =	vpop (xrf2);
	[tilespmem:v6+s29+$0x0] =	vst.idx.msk vm0, v4  }
0xfa: {  	v4, _, _ =	vpop (xrf2);
	[tilespmem:v7+s29+$0x0] =	vst.idx.msk vm0, v3  }
0xfb: {  	v3, _, _ =	vpop (xrf2);
	[tilespmem:v2+s28+$0x0] =	vst.idx.msk vm0, v4  }
0xfc: {  	[tilespmem:v2+s29+$0x0] =	vst.idx.msk vm0, v3;
	v2, _, _ =	vpop (xrf2)  }
0xfd: {  	[tilespmem:v0+s28+$0x0] =	vst.idx.msk vm0, v2;
	v2, _, _ =	vpop (xrf2)  }
0xfe: {  	[tilespmem:v0+s29+$0x0] =	vst.idx.msk vm0, v2;
	v0, _, _ =	vpop (xrf2)  }
0xff: {  	[tilespmem:v1+s28+$0x0] =	vst.idx.msk vm0, v0;
	v0, _, _ =	vpop (xrf2)  }
0x100: {  	[tilespmem:v1+s29+$0x0] =	vst.idx.msk vm0, v0  }
0x101: {  	_ =	swait.ge [sflag:s30], $0x800  }
0x102: {  	[sflag:s30] =	ssyncset.done $0x0  }
0x103: {  	[sflag:s30] =	ssyncadd.s32 $0xFFFFF800  }
0x104: {  	_ =	swait.ge [sflag:s30], $0x800  }
0x105: {  	[sflag:s30] =	ssyncset.done $0x0  }
0x106: {  	[sflag:s30] =	ssyncadd.s32 $0xFFFFF800  }
0x107: {  	_ =	swait.ge [sflag:s30], $0x800  }
0x108: {  	[sflag:s30] =	ssyncset.done $0x0  }
0x109: {  	s20 =	simm.s32 $0x4DF0;
	[sflag:s30] =	ssyncadd.s32 $0xFFFFF800  }
0x10a: {  	v0 =	vld [tilespmem:s20+$0x0]  }
0x10b: {  	v1 =	vld [tilespmem:s20+$0xFFFFFFF0]  }
0x10c: {  	s21 =	simm.s32 $0x8F0;
	v2 =	vld [tilespmem:s20+$0xFFFFFFD0]  }
0x10d: {  	v3 =	vld [tilespmem:s21+$0xFFFFFFD0]  }
0x10e: {  	v4 =	vld [tilespmem:s20+$0xFFFFFFE0]  }
0x10f: {  	v5 =	vld [tilespmem:s21+$0xFFFFFFE0]  }
0x110: {  	s22 =	simm.s32 $0x28F0;
	v6 =	vld [tilespmem:s21+$0xFFFFFFF0]  }
0x111: {  	v7 =	vld [tilespmem:s22+$0xFFFFFFD0]  }
0x112: {  	v8 =	vld [tilespmem:s22+$0xFFFFFFE0]  }
0x113: {  	v9 =	vld [tilespmem:s21+$0x0]  }
0x114: {  	v10 =	vld [tilespmem:s22+$0xFFFFFFF0]  }
0x115: {  	v11 =	vld [tilespmem:s21+$0xFFFFFF10]  }
0x116: {  	v12 =	vld [tilespmem:s22+$0x0]  }
0x117: {  	v13 =	vld [tilespmem:s22+$0xFFFFFF10]  }
0x118: {  	v14 =	vld [tilespmem:s20+$0xFFFFFF20]  }
0x119: {  	v15 =	vld [tilespmem:s21+$0xFFFFFF20]  }
0x11a: {  	v62 =	vld [tilespmem:s22+$0xFFFFFF20]  }
0x11b: {  	v63 =	vld [tilespmem:s20+$0xFFFFFF50]  }
0x11c: {  	v36 =	vld [tilespmem:s21+$0xFFFFFF50]  }
0x11d: {  	v37 =	vld [tilespmem:s22+$0xFFFFFF50]  }
0x11e: {  	v38 =	vld [tilespmem:s20+$0xFFFFFF60]  }
0x11f: {  	v39 =	vld [tilespmem:s21+$0xFFFFFF60]  }
0x120: {  	v40 =	vld [tilespmem:s22+$0xFFFFFF60]  }
0x121: {  	v41 =	vld [tilespmem:s20+$0xFFFFFF90]  }
0x122: {  	v43 =	vld [tilespmem:s22+$0xFFFFFF90]  }
0x123: {  	v44 =	vld [tilespmem:s20+$0xFFFFFFA0]  }
0x124: {  	v45 =	vld [tilespmem:s21+$0xFFFFFFA0]  }
0x125: {  	v46 =	vld [tilespmem:s22+$0xFFFFFFA0]  }
0x126: {  	v47 =	vld [tilespmem:s20+$0xFFFFFF10]  }
0x127: {  	v48 =	vld [tilespmem:s20+$0xFFFFFF30]  }
0x128: {  	v49 =	vld [tilespmem:s21+$0xFFFFFF30]  }
0x129: {  	v50 =	vld [tilespmem:s22+$0xFFFFFF30]  }
0x12a: {  	v51 =	vld [tilespmem:s20+$0xFFFFFF70];
	v3 =	vmul.f32 v3, v2;
	v5 =	vmul.f32 v5, v4  }
0x12b: {  	v52 =	vld [tilespmem:s21+$0xFFFFFF70];
	v2 =	vmul.f32 v7, v2;
	v4 =	vmul.f32 v8, v4  }
0x12c: {  	v7 =	vld [tilespmem:s20+$0xFFFFFFB0];
	v3 =	vadd.f32 v5, v3;
	v5 =	vmul.f32 v6, v1  }
0x12d: {  	v8 =	vld [tilespmem:s21+$0xFFFFFFB0];
	v2 =	vadd.f32 v4, v2;
	v1 =	vmul.f32 v10, v1  }
0x12e: {  	v54 =	vmul.f32 v45, v44;
	v6 =	vld [tilespmem:s22+$0xFFFFFF70];
	v3 =	vadd.f32 v5, v3;
	v5 =	vmul.f32 v9, v0  }
0x12f: {  	v56 =	vmul.f32 v46, v44;
	v4 =	vld [tilespmem:s22+$0xFFFFFFB0];
	v0 =	vmul.f32 v12, v0;
	v1 =	vadd.f32 v1, v2  }
0x130: {  	v53 =	vld [tilespmem:s20+$0xFFFFFF80];
	v59 =	vmul.f32 v50, v48;
	v60 =	vmul.f32 v52, v51;
	v3 =	vadd.f32 v5, v3  }
0x131: {  	v55 =	vld [tilespmem:s21+$0xFFFFFF80];
	v2 =	vmul.f32 v15, v14;
	v9 =	vmul.f32 v62, v14;
	v0 =	vadd.f32 v0, v1  }
0x132: {  	v10 =	vld [tilespmem:s21+$0xFFFFFF40];
	v12 =	vmul.f32 v39, v38;
	v15 =	vmul.f32 v40, v38;
	(xrf2) =	vadd.scan.msk.f32 $0xffff, v3  }
0x133: {  	v8 =	vmul.f32 v8, v7;
	v5 =	vld [tilespmem:s20+$0xFFFFFF40];
	v1 =	vmul.f32 v37, v63;
	(xrf2) =	vadd.scan.msk.f32 $0xffff, v0  }
0x134: {  	v14 =	vld [tilespmem:s22+$0xFFFFFF40];
	v6 =	vmul.f32 v6, v51;
	v4 =	vmul.f32 v4, v7  }
0x135: {  	v42 =	vld [tilespmem:s21+$0xFFFFFF90];
	v3 =	vmul.f32 v36, v63;
	v0 =	vadd.f32 v15, v1;
	v1 =	vmul.f32 v11, v47  }
0x136: {  	v11 =	vmul.f32 v13, v47;
	v15 =	vmul.f32 v43, v41  }
0x137: {  	v3 =	vadd.f32 v12, v3;
	v1 =	vadd.f32 v2, v1;
	v2 =	vmul.f32 v49, v48  }
0x138: {  	v13 =	vld [tilespmem:s22+$0xFFFFFF80];
	v9 =	vadd.f32 v9, v11;
	v15 =	vadd.f32 v56, v15;
	v7 =	vmul.f32 v10, v5  }
0x139: {  	v57 =	vld [tilespmem:s20+$0xFFFFFFC0];
	v5 =	vmul.f32 v14, v5;
	v14 =	vmul.f32 v55, v53;
	v1 =	vadd.f32 v2, v1  }
0x13a: {  	v61 =	vld [tilespmem:s22+$0xFFFFFFC0];
	v12 =	vmul.f32 v42, v41;
	v0 =	vadd.f32 v6, v0;
	v62 =	vadd.f32 v60, v3  }
0x13b: {  	s18 =	simm.s32 $0x4EF0;
	s23 =	simm.s32 $0x23;
	v11 =	vld [tilespmem:s21+$0xFFFFFFC0];
	v9 =	vadd.f32 v59, v9;
	v1 =	vadd.f32 v7, v1  }
0x13c: {  	v58 =	vmov s23;
	v6 =	vld [tilespmem:s18+$0xFFFFFFD0];
	v12 =	vadd.f32 v54, v12;
	v15 =	vadd.f32 v4, v15;
	v10, _, _ =	vpop (xrf2)  }
0x13d: {  	v3 =	vld [tilespmem:s18+$0xFFFFFFF0];
	v4 =	vadd.f32 v5, v9;
	v5 =	vmul.f32 v13, v53;
	v13 =	vadd.f32 v14, v62;
	v14, _, _ =	vpop (xrf2);
	(xrf2) =	vadd.scan.msk.f32 $0xffff, v1  }
0x13e: {  	s19 =	simm.s32 $0x9F0;
	v2 =	vld [tilespmem:s18+$0x0]  }
0x13f: {  	s21 =	simm.s32 $0x20;
	v12 =	vadd.f32 v8, v12;
	v8 =	vld [tilespmem:s19+$0xFFFFFFD0]  }
0x140: {  	v7 =	vld [tilespmem:s18+$0xFFFFFFE0];
	v1 =	vmul.f32 v11, v57;
	v11 =	vmov s21;
	(xrf2) =	vadd.scan.msk.f32 $0xffff, v4  }
0x141: {  	v5 =	vadd.f32 v5, v0;
	[tilespmem:v58+s28+$0x0] =	vst.idx.msk vm0, v10;
	v10 =	vld [tilespmem:s19+$0xFFFFFFE0];
	v0 =	vand.u32 $0xFFFFFFFC, v11  }
0x142: {  	s20 =	simm.s32 $0x29F0;
	v63 =	vmul.f32 v61, v57;
	v9 =	vld [tilespmem:s19+$0xFFFFFFF0];
	v4 =	vadd.f32 v1, v12;
	v1 =	vbroadcast v0, $0x0  }
0x143: {  	v11 =	vld [tilespmem:s20+$0xFFFFFFD0];
	(xrf2) =	vadd.scan.msk.f32 $0xffff, v13  }
0x144: {  	s17 =	simm.s32 $0x24;
	s22 =	simm.s32 $0x28;
	[tilespmem:v58+s29+$0x0] =	vst.idx.msk vm0, v14;
	v0 =	vadd.f32 v63, v15;
	v12 =	vld [tilespmem:s20+$0xFFFFFFE0]  }
.LBB2_4:
0x145: {  	p0 =	slt.u32 s22, $0x3C;
	v13 =	vld [tilespmem:s19+$0x0];
	s23 =	sadd.s32 $0x1, s21  }
0x146: {  	v8 =	vmul.f32 v8, v6;
	v10 =	vmul.f32 v10, v7;
	v14 =	vld [tilespmem:s20+$0xFFFFFFF0];
	v15 =	vmov s23;
	(xrf2) =	vadd.scan.msk.f32 $0xffff, v5  }
0x147: {  	v5 =	vld [tilespmem:s19+$0xFFFFFF10];
	v15 =	vand.u32 $0xFFFFFFFD, v15;
	v16, _, _ =	vpop (xrf2)  }
0x148: {  	v9 =	vmul.f32 v9, v3;
	v8 =	vadd.f32 v10, v8;
	v10 =	vld [tilespmem:s20+$0x0];
	[tilespmem:v1+s28+$0x0] =	vst.idx.msk vm0, v16;
	v15 =	vbroadcast v15, $0x0  }
0x149: {  	v6 =	vmul.f32 v11, v6;
	v16 =	vld [tilespmem:s20+$0xFFFFFF10];
	v7 =	vmul.f32 v12, v7;
	(xrf2) =	vadd.scan.msk.f32 $0xffff, v4  }
0x14a: {  	v4 =	vld [tilespmem:s18+$0xFFFFFF20];
	v17 =	vadd.f32 v9, v8;
	v9 =	vmul.f32 v13, v2;
	v11, _, _ =	vpop (xrf2)  }
0x14b: {  	s23 =	sadd.s32 $0x2, s21;
	s21 =	smov.u32 s17;
	s17 =	smov.u32 s22;
	v12 =	vld [tilespmem:s19+$0xFFFFFF20];
	v6 =	vadd.f32 v7, v6;
	v3 =	vmul.f32 v14, v3;
	[tilespmem:v1+s29+$0x0] =	vst.idx.msk vm0, v11  }
0x14c: {  	v11 =	vmov s23;
	v1 =	vld [tilespmem:s20+$0xFFFFFF20];
	v7 =	vadd.f32 v9, v17  }
0x14d: {  	v9 =	vld [tilespmem:s18+$0xFFFFFF50];
	v3 =	vadd.f32 v3, v6;
	v2 =	vmul.f32 v10, v2;
	v6 =	vand.u32 $0xFFFFFFFE, v11;
	v8, _, _ =	vpop (xrf2)  }
0x14e: {  	v10 =	vld [tilespmem:s19+$0xFFFFFF50];
	(xrf2) =	vadd.scan.msk.f32 $0xffff, v7;
	[tilespmem:v15+s28+$0x0] =	vst.idx.msk vm0, v8;
	v6 =	vbroadcast v6, $0x0  }
0x14f: {  	v7 =	vld [tilespmem:s20+$0xFFFFFF50];
	v2 =	vadd.f32 v2, v3  }
0x150: {  	v3 =	vmul.f32 v12, v4;
	v8 =	vld [tilespmem:s18+$0xFFFFFF60];
	v11, _, _ =	vpop (xrf2)  }
0x151: {  	v1 =	vmul.f32 v1, v4;
	v4 =	vld [tilespmem:s19+$0xFFFFFF60];
	(xrf2) =	vadd.scan.msk.f32 $0xffff, v2;
	[tilespmem:v15+s29+$0x0] =	vst.idx.msk vm0, v11  }
0x152: {  	v2 =	vld [tilespmem:s20+$0xFFFFFF60]  }
0x153: {  	v10 =	vmul.f32 v10, v9;
	v11 =	vld [tilespmem:s18+$0xFFFFFF90];
	v12, _, _ =	vpop (xrf2)  }
0x154: {  	v7 =	vmul.f32 v7, v9;
	v9 =	vld [tilespmem:s19+$0xFFFFFF90];
	[tilespmem:v6+s28+$0x0] =	vst.idx.msk vm0, v12;
	(xrf2) =	vadd.scan.msk.f32 $0xffff, v0  }
0x155: {  	s23 =	sadd.s32 $0x3, s21;
	v0 =	vld [tilespmem:s20+$0xFFFFFF90]  }
0x156: {  	v13 =	vmov s23;
	v4 =	vmul.f32 v4, v8;
	v12 =	vld [tilespmem:s18+$0xFFFFFFA0]  }
0x157: {  	v2 =	vmul.f32 v2, v8;
	v8 =	vld [tilespmem:s19+$0xFFFFFFA0]  }
0x158: {  	v4 =	vadd.f32 v4, v10;
	v10 =	vld [tilespmem:s20+$0xFFFFFFA0];
	v14, _, _ =	vpop (xrf2)  }
0x159: {  	v15 =	vld [tilespmem:s18+$0xFFFFFF10];
	v2 =	vadd.f32 v2, v7;
	v7 =	vmul.f32 v9, v11  }
0x15a: {  	v9 =	vld [tilespmem:s18+$0xFFFFFF30];
	v0 =	vmul.f32 v0, v11  }
0x15b: {  	v11 =	vld [tilespmem:s19+$0xFFFFFF30];
	[tilespmem:v13+s28+$0x0] =	vst.idx.msk vm0, v14;
	v14, _, _ =	vpop (xrf2)  }
0x15c: {  	v17 =	vld [tilespmem:s20+$0xFFFFFF30];
	v18 =	vmul.f32 v8, v12;
	[tilespmem:v13+s29+$0x0] =	vst.idx.msk vm0, v14  }
0x15d: {  	v13 =	vld [tilespmem:s18+$0xFFFFFF70];
	v10 =	vmul.f32 v10, v12  }
0x15e: {  	v5 =	vmul.f32 v5, v15;
	v12 =	vmul.f32 v16, v15;
	v14 =	vld [tilespmem:s19+$0xFFFFFF70];
	v7 =	vadd.f32 v18, v7;
	v8, _, _ =	vpop (xrf2)  }
0x15f: {  	v15 =	vld [tilespmem:s20+$0xFFFFFF70];
	v0 =	vadd.f32 v10, v0;
	[tilespmem:v6+s29+$0x0] =	vst.idx.msk vm0, v8  }
0x160: {  	v3 =	vadd.f32 v3, v5;
	v1 =	vadd.f32 v1, v12;
	v5 =	vmul.f32 v11, v9;
	v6 =	vld [tilespmem:s18+$0xFFFFFFB0]  }
0x161: {  	v8 =	vmul.f32 v17, v9;
	v9 =	vld [tilespmem:s19+$0xFFFFFFB0]  }
0x162: {  	v3 =	vadd.f32 v5, v3;
	v5 =	vld [tilespmem:s20+$0xFFFFFFB0]  }
0x163: {  	v1 =	vadd.f32 v8, v1;
	v8 =	vld [tilespmem:s18+$0xFFFFFF40];
	v10 =	vmul.f32 v14, v13  }
0x164: {  	v11 =	vld [tilespmem:s19+$0xFFFFFF40];
	v12 =	vmul.f32 v15, v13  }
0x165: {  	v13 =	vld [tilespmem:s20+$0xFFFFFF40];
	v4 =	vadd.f32 v10, v4  }
0x166: {  	v10 =	vadd.f32 v12, v2;
	v12 =	vld [tilespmem:s18+$0xFFFFFF80];
	v2 =	vmul.f32 v9, v6  }
0x167: {  	v9 =	vld [tilespmem:s19+$0xFFFFFF80];
	v5 =	vmul.f32 v5, v6  }
0x168: {  	v6 =	vld [tilespmem:s20+$0xFFFFFF80];
	v14 =	vadd.f32 v2, v7  }
0x169: {  	v2 =	vmul.f32 v11, v8;
	v0 =	vadd.f32 v5, v0;
	v11 =	vld [tilespmem:s18+$0xFFFFFFC0]  }
0x16a: {  	v5 =	vmul.f32 v13, v8;
	v7 =	vld [tilespmem:s19+$0xFFFFFFC0]  }
0x16b: {  	s18 =	sadd.s32 $0x100, s18;
	v8 =	vadd.f32 v2, v3;
	v13 =	vld [tilespmem:s20+$0xFFFFFFC0]  }
0x16c: {  	v2 =	vld [tilespmem:s18+$0x0];
	v1 =	vadd.f32 v5, v1;
	v5 =	vmul.f32 v9, v12  }
0x16d: {  	v3 =	vld [tilespmem:s18+$0xFFFFFFF0];
	v9 =	vmul.f32 v6, v12;
	(xrf2) =	vadd.scan.msk.f32 $0xffff, v8  }
0x16e: {  	s19 =	sadd.s32 $0x100, s19;
	v6 =	vld [tilespmem:s18+$0xFFFFFFD0];
	v12 =	vadd.f32 v5, v4  }
0x16f: {  	v8 =	vld [tilespmem:s19+$0xFFFFFFD0];
	v5 =	vadd.f32 v9, v10;
	v4 =	vmul.f32 v7, v11  }
.Ltmp1:
0x170: {  	v9 =	vmov s21;
	v7 =	vld [tilespmem:s18+$0xFFFFFFE0];
	v11 =	vmul.f32 v13, v11;
	(xrf2) =	vadd.scan.msk.f32 $0xffff, v1;
	(pc) =	sbr.rel @p0 .LBB2_4-.Ltmp1, $4  }
0x171: {  	v1 =	vand.u32 $0xFFFFFFFC, v9;
	v10 =	vld [tilespmem:s19+$0xFFFFFFE0];
	v4 =	vadd.f32 v4, v14  }
0x172: {  	s20 =	sadd.s32 $0x100, s20;
	v1 =	vbroadcast v1, $0x0;
	v9 =	vld [tilespmem:s19+$0xFFFFFFF0];
	v0 =	vadd.f32 v11, v0  }
0x173: {  	v11 =	vld [tilespmem:s20+$0xFFFFFFD0];
	(xrf2) =	vadd.scan.msk.f32 $0xffff, v12  }
0x174: {  	s22 =	sadd.s32 $0x4, s22;
	v12 =	vld [tilespmem:s20+$0xFFFFFFE0]  }
0x175: {  	v13 =	vld [tilespmem:s19+$0x0]  }
0x176: {  	v14 =	vld [tilespmem:s20+$0xFFFFFFF0]  }
0x177: {  	v15 =	vld [tilespmem:s19+$0xFFFFFF10]  }
0x178: {  	v16 =	vld [tilespmem:s20+$0x0]  }
0x179: {  	v17 =	vld [tilespmem:s20+$0xFFFFFF10]  }
0x17a: {  	v18 =	vld [tilespmem:s18+$0xFFFFFF20]  }
0x17b: {  	v19 =	vld [tilespmem:s19+$0xFFFFFF20]  }
0x17c: {  	v20 =	vld [tilespmem:s20+$0xFFFFFF20]  }
0x17d: {  	v21 =	vld [tilespmem:s18+$0xFFFFFF50]  }
0x17e: {  	v22 =	vld [tilespmem:s19+$0xFFFFFF50]  }
0x17f: {  	v23 =	vld [tilespmem:s20+$0xFFFFFF50]  }
0x180: {  	v24 =	vld [tilespmem:s18+$0xFFFFFF60]  }
0x181: {  	v25 =	vld [tilespmem:s19+$0xFFFFFF60]  }
0x182: {  	v26 =	vld [tilespmem:s20+$0xFFFFFF60]  }
0x183: {  	v27 =	vld [tilespmem:s18+$0xFFFFFF90]  }
0x184: {  	v28 =	vld [tilespmem:s19+$0xFFFFFF90]  }
0x185: {  	v29 =	vld [tilespmem:s20+$0xFFFFFF90]  }
0x186: {  	v30 =	vld [tilespmem:s18+$0xFFFFFFA0]  }
0x187: {  	v31 =	vld [tilespmem:s19+$0xFFFFFFA0]  }
0x188: {  	v32 =	vld [tilespmem:s20+$0xFFFFFFA0]  }
0x189: {  	v33 =	vld [tilespmem:s18+$0xFFFFFF10]  }
0x18a: {  	v34 =	vld [tilespmem:s18+$0xFFFFFF30]  }
0x18b: {  	v35 =	vld [tilespmem:s19+$0xFFFFFF30]  }
0x18c: {  	s22 =	sadd.s32 $0x1, s21;
	v36 =	vld [tilespmem:s20+$0xFFFFFF30];
	v8 =	vmul.f32 v8, v6  }
0x18d: {  	v38 =	vld [tilespmem:s18+$0xFFFFFF70];
	v10 =	vmul.f32 v10, v7;
	v37 =	vmov s22;
	v9 =	vmul.f32 v9, v3  }
0x18e: {  	v46 =	vld [tilespmem:s19+$0xFFFFFFB0];
	v6 =	vmul.f32 v11, v6;
	v11 =	vand.u32 $0xFFFFFFFD, v37;
	v7 =	vmul.f32 v12, v7  }
0x18f: {  	v47 =	vld [tilespmem:s20+$0xFFFFFFB0];
	v8 =	vadd.f32 v10, v8;
	v10 =	vbroadcast v11, $0x0;
	v3 =	vmul.f32 v14, v3  }
0x190: {  	v49 =	vld [tilespmem:s18+$0xFFFFFF40];
	v13 =	vmul.f32 v13, v2;
	v2 =	vmul.f32 v16, v2  }
0x191: {  	v51 =	vld [tilespmem:s19+$0xFFFFFF40];
	v8 =	vadd.f32 v9, v8;
	v9 =	vmul.f32 v19, v18;
	v48 =	vmul.f32 v22, v21  }
0x192: {  	v53 =	vld [tilespmem:s20+$0xFFFFFF40];
	v50 =	vmul.f32 v25, v24;
	v52 =	vmul.f32 v28, v27  }
0x193: {  	v55 =	vld [tilespmem:s18+$0xFFFFFF80];
	v54 =	vmul.f32 v31, v30;
	v15 =	vmul.f32 v15, v33;
	v6 =	vadd.f32 v7, v6  }
0x194: {  	v12 =	vld [tilespmem:s19+$0xFFFFFF70];
	v17 =	vmul.f32 v17, v33;
	v57 =	vmul.f32 v32, v30  }
0x195: {  	s23 =	sadd.s32 $0x2, s21;
	v56 =	vld [tilespmem:s19+$0xFFFFFF80];
	v58 =	vmul.f32 v35, v34;
	v59 =	vmul.f32 v36, v34;
	v3 =	vadd.f32 v3, v6  }
0x196: {  	v11 =	vld [tilespmem:s20+$0xFFFFFF70];
	v7 =	vmov s23;
	v8 =	vadd.f32 v13, v8;
	v13 =	vmul.f32 v23, v21  }
0x197: {  	v14 =	vld [tilespmem:s18+$0xFFFFFFB0];
	v21 =	vadd.f32 v54, v52;
	v2 =	vadd.f32 v2, v3;
	v3 =	vmul.f32 v26, v24  }
0x198: {  	v60 =	vld [tilespmem:s18+$0xFFFFFFC0];
	v9 =	vadd.f32 v9, v15;
	v6 =	vmul.f32 v20, v18;
	v18 =	vadd.f32 v50, v48  }
0x199: {  	(xrf2) =	vadd.scan.msk.f32 $0xffff, v5;
	v61 =	vld [tilespmem:s20+$0xFFFFFFC0];
	v12 =	vmul.f32 v12, v38;
	v3 =	vadd.f32 v3, v13;
	v13 =	vmul.f32 v29, v27  }
0x19a: {  	(xrf2) =	vadd.scan.msk.f32 $0xffff, v4;
	v15 =	vld [tilespmem:s20+$0xFFFFFF80];
	v4 =	vadd.f32 v58, v9;
	v9 =	vmul.f32 v51, v49;
	v6 =	vadd.f32 v6, v17  }
0x19b: {  	v11 =	vmul.f32 v11, v38;
	(xrf2) =	vadd.scan.msk.f32 $0xffff, v8;
	v8 =	vadd.f32 v12, v18;
	v5 =	vadd.f32 v57, v13;
	v13 =	vld [tilespmem:s19+$0xFFFFFFC0]  }
0x19c: {  	v4 =	vadd.f32 v9, v4;
	v9 =	vmul.f32 v56, v55;
	(xrf2) =	vadd.scan.msk.f32 $0xffff, v2;
	v2 =	vmul.f32 v46, v14  }
0x19d: {  	v6 =	vadd.f32 v59, v6;
	v3 =	vadd.f32 v11, v3;
	v11 =	vmul.f32 v53, v49  }
0x19e: {  	v7 =	vand.u32 $0xFFFFFFFE, v7;
	(xrf2) =	vadd.scan.msk.f32 $0xffff, v0;
	v0 =	vmul.f32 v47, v14;
	v2 =	vadd.f32 v2, v21  }
0x19f: {  	(xrf2) =	vadd.scan.msk.f32 $0xffff, v4;
	v4 =	vadd.f32 v9, v8;
	v6 =	vadd.f32 v11, v6;
	v11 =	vmul.f32 v15, v55  }
0x1a0: {  	v0 =	vadd.f32 v0, v5;
	v5 =	vmul.f32 v61, v60;
	v8 =	vmul.f32 v13, v60  }
0x1a1: {  	v7 =	vbroadcast v7, $0x0;
	v9, _, _ =	vpop (xrf2);
	v3 =	vadd.f32 v11, v3;
	(xrf2) =	vadd.scan.msk.f32 $0xffff, v6  }
0x1a2: {  	s22 =	sadd.s32 $0x3, s17;
	v0 =	vadd.f32 v5, v0;
	(xrf2) =	vadd.scan.msk.f32 $0xffff, v4;
	v2 =	vadd.f32 v8, v2;
	v8 =	vmov s17  }
0x1a3: {  	s23 =	sadd.s32 $0x1, s17;
	[tilespmem:v1+s28+$0x0] =	vst.idx.msk vm0, v9;
	v6 =	vmov s22;
	v4, _, _ =	vpop (xrf2);
	(xrf2) =	vadd.scan.msk.f32 $0xffff, v3;
	v3 =	vand.u32 $0xFFFFFFFC, v8  }
0x1a4: {  	[tilespmem:v1+s29+$0x0] =	vst.idx.msk vm0, v4;
	v1, _, _ =	vpop (xrf2);
	(xrf2) =	vadd.scan.msk.f32 $0xffff, v2;
	v2 =	vbroadcast v3, $0x0;
	v3 =	vmov s23  }
0x1a5: {  	[tilespmem:v10+s28+$0x0] =	vst.idx.msk vm0, v1;
	v1, _, _ =	vpop (xrf2);
	(xrf2) =	vadd.scan.msk.f32 $0xffff, v0  }
0x1a6: {  	s19 =	sadd.s32 $0x2, s17;
	[tilespmem:v10+s29+$0x0] =	vst.idx.msk vm0, v1;
	v0, _, _ =	vpop (xrf2);
	v1 =	vand.u32 $0xFFFFFFFD, v3  }
0x1a7: {  	[tilespmem:v7+s28+$0x0] =	vst.idx.msk vm0, v0;
	v0 =	vbroadcast v1, $0x0;
	v1 =	vmov s19;
	v3, _, _ =	vpop (xrf2)  }
0x1a8: {  	v1 =	vand.u32 $0xFFFFFFFE, v1;
	v4, _, _ =	vpop (xrf2);
	[tilespmem:v6+s28+$0x0] =	vst.idx.msk vm0, v3  }
0x1a9: {  	v1 =	vbroadcast v1, $0x0;
	v3, _, _ =	vpop (xrf2);
	[tilespmem:v6+s29+$0x0] =	vst.idx.msk vm0, v4  }
0x1aa: {  	v4, _, _ =	vpop (xrf2);
	[tilespmem:v7+s29+$0x0] =	vst.idx.msk vm0, v3  }
0x1ab: {  	v3, _, _ =	vpop (xrf2);
	[tilespmem:v2+s28+$0x0] =	vst.idx.msk vm0, v4  }
0x1ac: {  	[tilespmem:v2+s29+$0x0] =	vst.idx.msk vm0, v3;
	v2, _, _ =	vpop (xrf2)  }
0x1ad: {  	[tilespmem:v0+s28+$0x0] =	vst.idx.msk vm0, v2;
	v2, _, _ =	vpop (xrf2)  }
0x1ae: {  	[tilespmem:v0+s29+$0x0] =	vst.idx.msk vm0, v2;
	v0, _, _ =	vpop (xrf2)  }
0x1af: {  	[tilespmem:v1+s28+$0x0] =	vst.idx.msk vm0, v0;
	v0, _, _ =	vpop (xrf2)  }
0x1b0: {  	[tilespmem:v1+s29+$0x0] =	vst.idx.msk vm0, v0  }
0x1b1: {  	_ =	swait.ge [sflag:s31], $0x800  }
0x1b2: {  	[sflag:s31] =	ssyncset.done $0x0  }
0x1b3: {  	[sflag:s31] =	ssyncadd.s32 $0xFFFFF800  }
0x1b4: {  	_ =	swait.ge [sflag:s31], $0x800  }
0x1b5: {  	[sflag:s31] =	ssyncset.done $0x0  }
0x1b6: {  	[sflag:s31] =	ssyncadd.s32 $0xFFFFF800  }
0x1b7: {  	_ =	swait.ge [sflag:s31], $0x800  }
0x1b8: {  	[sflag:s31] =	ssyncset.done $0x0  }
0x1b9: {  	s20 =	simm.s32 $0x55F0;
	[sflag:s31] =	ssyncadd.s32 $0xFFFFF800  }
0x1ba: {  	v0 =	vld [tilespmem:s20+$0x0]  }
0x1bb: {  	v1 =	vld [tilespmem:s20+$0xFFFFFFF0]  }
0x1bc: {  	s21 =	simm.s32 $0x10F0;
	v2 =	vld [tilespmem:s20+$0xFFFFFFD0]  }
0x1bd: {  	v3 =	vld [tilespmem:s21+$0xFFFFFFD0]  }
0x1be: {  	v4 =	vld [tilespmem:s20+$0xFFFFFFE0]  }
0x1bf: {  	v5 =	vld [tilespmem:s21+$0xFFFFFFE0]  }
0x1c0: {  	s22 =	simm.s32 $0x30F0;
	v6 =	vld [tilespmem:s21+$0xFFFFFFF0]  }
0x1c1: {  	v7 =	vld [tilespmem:s22+$0xFFFFFFD0]  }
0x1c2: {  	v8 =	vld [tilespmem:s22+$0xFFFFFFE0]  }
0x1c3: {  	v9 =	vld [tilespmem:s21+$0x0]  }
0x1c4: {  	v10 =	vld [tilespmem:s22+$0xFFFFFFF0]  }
0x1c5: {  	v11 =	vld [tilespmem:s21+$0xFFFFFF10]  }
0x1c6: {  	v12 =	vld [tilespmem:s22+$0x0]  }
0x1c7: {  	v13 =	vld [tilespmem:s22+$0xFFFFFF10]  }
0x1c8: {  	v14 =	vld [tilespmem:s20+$0xFFFFFF20]  }
0x1c9: {  	v15 =	vld [tilespmem:s21+$0xFFFFFF20]  }
0x1ca: {  	v62 =	vld [tilespmem:s22+$0xFFFFFF20]  }
0x1cb: {  	v63 =	vld [tilespmem:s20+$0xFFFFFF50]  }
0x1cc: {  	v36 =	vld [tilespmem:s21+$0xFFFFFF50]  }
0x1cd: {  	v37 =	vld [tilespmem:s22+$0xFFFFFF50]  }
0x1ce: {  	v38 =	vld [tilespmem:s20+$0xFFFFFF60]  }
0x1cf: {  	v39 =	vld [tilespmem:s21+$0xFFFFFF60]  }
0x1d0: {  	v40 =	vld [tilespmem:s22+$0xFFFFFF60]  }
0x1d1: {  	v41 =	vld [tilespmem:s20+$0xFFFFFF90]  }
0x1d2: {  	v43 =	vld [tilespmem:s22+$0xFFFFFF90]  }
0x1d3: {  	v44 =	vld [tilespmem:s20+$0xFFFFFFA0]  }
0x1d4: {  	v45 =	vld [tilespmem:s21+$0xFFFFFFA0]  }
0x1d5: {  	v46 =	vld [tilespmem:s22+$0xFFFFFFA0]  }
0x1d6: {  	v47 =	vld [tilespmem:s20+$0xFFFFFF10]  }
0x1d7: {  	v48 =	vld [tilespmem:s20+$0xFFFFFF30]  }
0x1d8: {  	v49 =	vld [tilespmem:s21+$0xFFFFFF30]  }
0x1d9: {  	v50 =	vld [tilespmem:s22+$0xFFFFFF30]  }
0x1da: {  	v51 =	vld [tilespmem:s20+$0xFFFFFF70];
	v3 =	vmul.f32 v3, v2;
	v5 =	vmul.f32 v5, v4  }
0x1db: {  	v52 =	vld [tilespmem:s21+$0xFFFFFF70];
	v2 =	vmul.f32 v7, v2;
	v4 =	vmul.f32 v8, v4  }
0x1dc: {  	v7 =	vld [tilespmem:s20+$0xFFFFFFB0];
	v3 =	vadd.f32 v5, v3;
	v5 =	vmul.f32 v6, v1  }
0x1dd: {  	v8 =	vld [tilespmem:s21+$0xFFFFFFB0];
	v2 =	vadd.f32 v4, v2;
	v1 =	vmul.f32 v10, v1  }
0x1de: {  	v54 =	vmul.f32 v45, v44;
	v6 =	vld [tilespmem:s22+$0xFFFFFF70];
	v3 =	vadd.f32 v5, v3;
	v5 =	vmul.f32 v9, v0  }
0x1df: {  	v56 =	vmul.f32 v46, v44;
	v4 =	vld [tilespmem:s22+$0xFFFFFFB0];
	v0 =	vmul.f32 v12, v0;
	v1 =	vadd.f32 v1, v2  }
0x1e0: {  	v53 =	vld [tilespmem:s20+$0xFFFFFF80];
	v59 =	vmul.f32 v50, v48;
	v60 =	vmul.f32 v52, v51;
	v3 =	vadd.f32 v5, v3  }
0x1e1: {  	v55 =	vld [tilespmem:s21+$0xFFFFFF80];
	v2 =	vmul.f32 v15, v14;
	v9 =	vmul.f32 v62, v14;
	v0 =	vadd.f32 v0, v1  }
0x1e2: {  	v10 =	vld [tilespmem:s21+$0xFFFFFF40];
	v12 =	vmul.f32 v39, v38;
	v15 =	vmul.f32 v40, v38;
	(xrf2) =	vadd.scan.msk.f32 $0xffff, v3  }
0x1e3: {  	v8 =	vmul.f32 v8, v7;
	v5 =	vld [tilespmem:s20+$0xFFFFFF40];
	v1 =	vmul.f32 v37, v63;
	(xrf2) =	vadd.scan.msk.f32 $0xffff, v0  }
0x1e4: {  	v14 =	vld [tilespmem:s22+$0xFFFFFF40];
	v6 =	vmul.f32 v6, v51;
	v4 =	vmul.f32 v4, v7  }
0x1e5: {  	v42 =	vld [tilespmem:s21+$0xFFFFFF90];
	v3 =	vmul.f32 v36, v63;
	v0 =	vadd.f32 v15, v1;
	v1 =	vmul.f32 v11, v47  }
0x1e6: {  	v11 =	vmul.f32 v13, v47;
	v15 =	vmul.f32 v43, v41  }
0x1e7: {  	v3 =	vadd.f32 v12, v3;
	v1 =	vadd.f32 v2, v1;
	v2 =	vmul.f32 v49, v48  }
0x1e8: {  	v13 =	vld [tilespmem:s22+$0xFFFFFF80];
	v9 =	vadd.f32 v9, v11;
	v15 =	vadd.f32 v56, v15;
	v7 =	vmul.f32 v10, v5  }
0x1e9: {  	v57 =	vld [tilespmem:s20+$0xFFFFFFC0];
	v5 =	vmul.f32 v14, v5;
	v14 =	vmul.f32 v55, v53;
	v1 =	vadd.f32 v2, v1  }
0x1ea: {  	v61 =	vld [tilespmem:s22+$0xFFFFFFC0];
	v12 =	vmul.f32 v42, v41;
	v0 =	vadd.f32 v6, v0;
	v62 =	vadd.f32 v60, v3  }
0x1eb: {  	s18 =	simm.s32 $0x56F0;
	s23 =	simm.s32 $0x43;
	v11 =	vld [tilespmem:s21+$0xFFFFFFC0];
	v9 =	vadd.f32 v59, v9;
	v1 =	vadd.f32 v7, v1  }
0x1ec: {  	v58 =	vmov s23;
	v6 =	vld [tilespmem:s18+$0xFFFFFFD0];
	v12 =	vadd.f32 v54, v12;
	v15 =	vadd.f32 v4, v15;
	v10, _, _ =	vpop (xrf2)  }
0x1ed: {  	v3 =	vld [tilespmem:s18+$0xFFFFFFF0];
	v4 =	vadd.f32 v5, v9;
	v5 =	vmul.f32 v13, v53;
	v13 =	vadd.f32 v14, v62;
	v14, _, _ =	vpop (xrf2);
	(xrf2) =	vadd.scan.msk.f32 $0xffff, v1  }
0x1ee: {  	s19 =	simm.s32 $0x11F0;
	v2 =	vld [tilespmem:s18+$0x0]  }
0x1ef: {  	s21 =	simm.s32 $0x40;
	v12 =	vadd.f32 v8, v12;
	v8 =	vld [tilespmem:s19+$0xFFFFFFD0]  }
0x1f0: {  	v7 =	vld [tilespmem:s18+$0xFFFFFFE0];
	v1 =	vmul.f32 v11, v57;
	v11 =	vmov s21;
	(xrf2) =	vadd.scan.msk.f32 $0xffff, v4  }
0x1f1: {  	v5 =	vadd.f32 v5, v0;
	[tilespmem:v58+s28+$0x0] =	vst.idx.msk vm0, v10;
	v10 =	vld [tilespmem:s19+$0xFFFFFFE0];
	v0 =	vand.u32 $0xFFFFFFFC, v11  }
0x1f2: {  	s20 =	simm.s32 $0x31F0;
	v63 =	vmul.f32 v61, v57;
	v9 =	vld [tilespmem:s19+$0xFFFFFFF0];
	v4 =	vadd.f32 v1, v12;
	v1 =	vbroadcast v0, $0x0  }
0x1f3: {  	v11 =	vld [tilespmem:s20+$0xFFFFFFD0];
	(xrf2) =	vadd.scan.msk.f32 $0xffff, v13  }
0x1f4: {  	s17 =	simm.s32 $0x44;
	s22 =	simm.s32 $0x48;
	[tilespmem:v58+s29+$0x0] =	vst.idx.msk vm0, v14;
	v0 =	vadd.f32 v63, v15;
	v12 =	vld [tilespmem:s20+$0xFFFFFFE0]  }
.LBB2_6:
0x1f5: {  	p0 =	slt.u32 s22, $0x5C;
	v13 =	vld [tilespmem:s19+$0x0];
	s23 =	sadd.s32 $0x1, s21  }
0x1f6: {  	v8 =	vmul.f32 v8, v6;
	v10 =	vmul.f32 v10, v7;
	v14 =	vld [tilespmem:s20+$0xFFFFFFF0];
	v15 =	vmov s23;
	(xrf2) =	vadd.scan.msk.f32 $0xffff, v5  }
0x1f7: {  	v5 =	vld [tilespmem:s19+$0xFFFFFF10];
	v15 =	vand.u32 $0xFFFFFFFD, v15;
	v16, _, _ =	vpop (xrf2)  }
0x1f8: {  	v9 =	vmul.f32 v9, v3;
	v8 =	vadd.f32 v10, v8;
	v10 =	vld [tilespmem:s20+$0x0];
	[tilespmem:v1+s28+$0x0] =	vst.idx.msk vm0, v16;
	v15 =	vbroadcast v15, $0x0  }
0x1f9: {  	v6 =	vmul.f32 v11, v6;
	v16 =	vld [tilespmem:s20+$0xFFFFFF10];
	v7 =	vmul.f32 v12, v7;
	(xrf2) =	vadd.scan.msk.f32 $0xffff, v4  }
0x1fa: {  	v4 =	vld [tilespmem:s18+$0xFFFFFF20];
	v17 =	vadd.f32 v9, v8;
	v9 =	vmul.f32 v13, v2;
	v11, _, _ =	vpop (xrf2)  }
0x1fb: {  	s23 =	sadd.s32 $0x2, s21;
	s21 =	smov.u32 s17;
	s17 =	smov.u32 s22;
	v12 =	vld [tilespmem:s19+$0xFFFFFF20];
	v6 =	vadd.f32 v7, v6;
	v3 =	vmul.f32 v14, v3;
	[tilespmem:v1+s29+$0x0] =	vst.idx.msk vm0, v11  }
0x1fc: {  	v11 =	vmov s23;
	v1 =	vld [tilespmem:s20+$0xFFFFFF20];
	v7 =	vadd.f32 v9, v17  }
0x1fd: {  	v9 =	vld [tilespmem:s18+$0xFFFFFF50];
	v3 =	vadd.f32 v3, v6;
	v2 =	vmul.f32 v10, v2;
	v6 =	vand.u32 $0xFFFFFFFE, v11;
	v8, _, _ =	vpop (xrf2)  }
0x1fe: {  	v10 =	vld [tilespmem:s19+$0xFFFFFF50];
	(xrf2) =	vadd.scan.msk.f32 $0xffff, v7;
	[tilespmem:v15+s28+$0x0] =	vst.idx.msk vm0, v8;
	v6 =	vbroadcast v6, $0x0  }
0x1ff: {  	v7 =	vld [tilespmem:s20+$0xFFFFFF50];
	v2 =	vadd.f32 v2, v3  }
0x200: {  	v3 =	vmul.f32 v12, v4;
	v8 =	vld [tilespmem:s18+$0xFFFFFF60];
	v11, _, _ =	vpop (xrf2)  }
0x201: {  	v1 =	vmul.f32 v1, v4;
	v4 =	vld [tilespmem:s19+$0xFFFFFF60];
	(xrf2) =	vadd.scan.msk.f32 $0xffff, v2;
	[tilespmem:v15+s29+$0x0] =	vst.idx.msk vm0, v11  }
0x202: {  	v2 =	vld [tilespmem:s20+$0xFFFFFF60]  }
0x203: {  	v10 =	vmul.f32 v10, v9;
	v11 =	vld [tilespmem:s18+$0xFFFFFF90];
	v12, _, _ =	vpop (xrf2)  }
0x204: {  	v7 =	vmul.f32 v7, v9;
	v9 =	vld [tilespmem:s19+$0xFFFFFF90];
	[tilespmem:v6+s28+$0x0] =	vst.idx.msk vm0, v12;
	(xrf2) =	vadd.scan.msk.f32 $0xffff, v0  }
0x205: {  	s23 =	sadd.s32 $0x3, s21;
	v0 =	vld [tilespmem:s20+$0xFFFFFF90]  }
0x206: {  	v13 =	vmov s23;
	v4 =	vmul.f32 v4, v8;
	v12 =	vld [tilespmem:s18+$0xFFFFFFA0]  }
0x207: {  	v2 =	vmul.f32 v2, v8;
	v8 =	vld [tilespmem:s19+$0xFFFFFFA0]  }
0x208: {  	v4 =	vadd.f32 v4, v10;
	v10 =	vld [tilespmem:s20+$0xFFFFFFA0];
	v14, _, _ =	vpop (xrf2)  }
0x209: {  	v15 =	vld [tilespmem:s18+$0xFFFFFF10];
	v2 =	vadd.f32 v2, v7;
	v7 =	vmul.f32 v9, v11  }
0x20a: {  	v9 =	vld [tilespmem:s18+$0xFFFFFF30];
	v0 =	vmul.f32 v0, v11  }
0x20b: {  	v11 =	vld [tilespmem:s19+$0xFFFFFF30];
	[tilespmem:v13+s28+$0x0] =	vst.idx.msk vm0, v14;
	v14, _, _ =	vpop (xrf2)  }
0x20c: {  	v17 =	vld [tilespmem:s20+$0xFFFFFF30];
	v18 =	vmul.f32 v8, v12;
	[tilespmem:v13+s29+$0x0] =	vst.idx.msk vm0, v14  }
0x20d: {  	v13 =	vld [tilespmem:s18+$0xFFFFFF70];
	v10 =	vmul.f32 v10, v12  }
0x20e: {  	v5 =	vmul.f32 v5, v15;
	v12 =	vmul.f32 v16, v15;
	v14 =	vld [tilespmem:s19+$0xFFFFFF70];
	v7 =	vadd.f32 v18, v7;
	v8, _, _ =	vpop (xrf2)  }
0x20f: {  	v15 =	vld [tilespmem:s20+$0xFFFFFF70];
	v0 =	vadd.f32 v10, v0;
	[tilespmem:v6+s29+$0x0] =	vst.idx.msk vm0, v8  }
0x210: {  	v3 =	vadd.f32 v3, v5;
	v1 =	vadd.f32 v1, v12;
	v5 =	vmul.f32 v11, v9;
	v6 =	vld [tilespmem:s18+$0xFFFFFFB0]  }
0x211: {  	v8 =	vmul.f32 v17, v9;
	v9 =	vld [tilespmem:s19+$0xFFFFFFB0]  }
0x212: {  	v3 =	vadd.f32 v5, v3;
	v5 =	vld [tilespmem:s20+$0xFFFFFFB0]  }
0x213: {  	v1 =	vadd.f32 v8, v1;
	v8 =	vld [tilespmem:s18+$0xFFFFFF40];
	v10 =	vmul.f32 v14, v13  }
0x214: {  	v11 =	vld [tilespmem:s19+$0xFFFFFF40];
	v12 =	vmul.f32 v15, v13  }
0x215: {  	v13 =	vld [tilespmem:s20+$0xFFFFFF40];
	v4 =	vadd.f32 v10, v4  }
0x216: {  	v10 =	vadd.f32 v12, v2;
	v12 =	vld [tilespmem:s18+$0xFFFFFF80];
	v2 =	vmul.f32 v9, v6  }
0x217: {  	v9 =	vld [tilespmem:s19+$0xFFFFFF80];
	v5 =	vmul.f32 v5, v6  }
0x218: {  	v6 =	vld [tilespmem:s20+$0xFFFFFF80];
	v14 =	vadd.f32 v2, v7  }
0x219: {  	v2 =	vmul.f32 v11, v8;
	v0 =	vadd.f32 v5, v0;
	v11 =	vld [tilespmem:s18+$0xFFFFFFC0]  }
0x21a: {  	v5 =	vmul.f32 v13, v8;
	v7 =	vld [tilespmem:s19+$0xFFFFFFC0]  }
0x21b: {  	s18 =	sadd.s32 $0x100, s18;
	v8 =	vadd.f32 v2, v3;
	v13 =	vld [tilespmem:s20+$0xFFFFFFC0]  }
0x21c: {  	v2 =	vld [tilespmem:s18+$0x0];
	v1 =	vadd.f32 v5, v1;
	v5 =	vmul.f32 v9, v12  }
0x21d: {  	v3 =	vld [tilespmem:s18+$0xFFFFFFF0];
	v9 =	vmul.f32 v6, v12;
	(xrf2) =	vadd.scan.msk.f32 $0xffff, v8  }
0x21e: {  	s19 =	sadd.s32 $0x100, s19;
	v6 =	vld [tilespmem:s18+$0xFFFFFFD0];
	v12 =	vadd.f32 v5, v4  }
0x21f: {  	v8 =	vld [tilespmem:s19+$0xFFFFFFD0];
	v5 =	vadd.f32 v9, v10;
	v4 =	vmul.f32 v7, v11  }
.Ltmp2:
0x220: {  	v9 =	vmov s21;
	v7 =	vld [tilespmem:s18+$0xFFFFFFE0];
	v11 =	vmul.f32 v13, v11;
	(xrf2) =	vadd.scan.msk.f32 $0xffff, v1;
	(pc) =	sbr.rel @p0 .LBB2_6-.Ltmp2, $4  }
0x221: {  	v1 =	vand.u32 $0xFFFFFFFC, v9;
	v10 =	vld [tilespmem:s19+$0xFFFFFFE0];
	v4 =	vadd.f32 v4, v14  }
0x222: {  	s20 =	sadd.s32 $0x100, s20;
	v1 =	vbroadcast v1, $0x0;
	v9 =	vld [tilespmem:s19+$0xFFFFFFF0];
	v0 =	vadd.f32 v11, v0  }
0x223: {  	v11 =	vld [tilespmem:s20+$0xFFFFFFD0];
	(xrf2) =	vadd.scan.msk.f32 $0xffff, v12  }
0x224: {  	s22 =	sadd.s32 $0x4, s22;
	v12 =	vld [tilespmem:s20+$0xFFFFFFE0]  }
0x225: {  	v13 =	vld [tilespmem:s19+$0x0]  }
0x226: {  	v14 =	vld [tilespmem:s20+$0xFFFFFFF0]  }
0x227: {  	v15 =	vld [tilespmem:s19+$0xFFFFFF10]  }
0x228: {  	v16 =	vld [tilespmem:s20+$0x0]  }
0x229: {  	v17 =	vld [tilespmem:s20+$0xFFFFFF10]  }
0x22a: {  	v18 =	vld [tilespmem:s18+$0xFFFFFF20]  }
0x22b: {  	v19 =	vld [tilespmem:s19+$0xFFFFFF20]  }
0x22c: {  	v20 =	vld [tilespmem:s20+$0xFFFFFF20]  }
0x22d: {  	v21 =	vld [tilespmem:s18+$0xFFFFFF50]  }
0x22e: {  	v22 =	vld [tilespmem:s19+$0xFFFFFF50]  }
0x22f: {  	v23 =	vld [tilespmem:s20+$0xFFFFFF50]  }
0x230: {  	v24 =	vld [tilespmem:s18+$0xFFFFFF60]  }
0x231: {  	v25 =	vld [tilespmem:s19+$0xFFFFFF60]  }
0x232: {  	v26 =	vld [tilespmem:s20+$0xFFFFFF60]  }
0x233: {  	v27 =	vld [tilespmem:s18+$0xFFFFFF90]  }
0x234: {  	v28 =	vld [tilespmem:s19+$0xFFFFFF90]  }
0x235: {  	v29 =	vld [tilespmem:s20+$0xFFFFFF90]  }
0x236: {  	v30 =	vld [tilespmem:s18+$0xFFFFFFA0]  }
0x237: {  	v31 =	vld [tilespmem:s19+$0xFFFFFFA0]  }
0x238: {  	v32 =	vld [tilespmem:s20+$0xFFFFFFA0]  }
0x239: {  	v33 =	vld [tilespmem:s18+$0xFFFFFF10]  }
0x23a: {  	v34 =	vld [tilespmem:s18+$0xFFFFFF30]  }
0x23b: {  	v35 =	vld [tilespmem:s19+$0xFFFFFF30]  }
0x23c: {  	s22 =	sadd.s32 $0x1, s21;
	v36 =	vld [tilespmem:s20+$0xFFFFFF30];
	v8 =	vmul.f32 v8, v6  }
0x23d: {  	v38 =	vld [tilespmem:s18+$0xFFFFFF70];
	v10 =	vmul.f32 v10, v7;
	v37 =	vmov s22;
	v9 =	vmul.f32 v9, v3  }
0x23e: {  	v46 =	vld [tilespmem:s19+$0xFFFFFFB0];
	v6 =	vmul.f32 v11, v6;
	v11 =	vand.u32 $0xFFFFFFFD, v37;
	v7 =	vmul.f32 v12, v7  }
0x23f: {  	v47 =	vld [tilespmem:s20+$0xFFFFFFB0];
	v8 =	vadd.f32 v10, v8;
	v10 =	vbroadcast v11, $0x0;
	v3 =	vmul.f32 v14, v3  }
0x240: {  	v49 =	vld [tilespmem:s18+$0xFFFFFF40];
	v13 =	vmul.f32 v13, v2;
	v2 =	vmul.f32 v16, v2  }
0x241: {  	v51 =	vld [tilespmem:s19+$0xFFFFFF40];
	v8 =	vadd.f32 v9, v8;
	v9 =	vmul.f32 v19, v18;
	v48 =	vmul.f32 v22, v21  }
0x242: {  	v53 =	vld [tilespmem:s20+$0xFFFFFF40];
	v50 =	vmul.f32 v25, v24;
	v52 =	vmul.f32 v28, v27  }
0x243: {  	v55 =	vld [tilespmem:s18+$0xFFFFFF80];
	v54 =	vmul.f32 v31, v30;
	v15 =	vmul.f32 v15, v33;
	v6 =	vadd.f32 v7, v6  }
0x244: {  	v12 =	vld [tilespmem:s19+$0xFFFFFF70];
	v17 =	vmul.f32 v17, v33;
	v57 =	vmul.f32 v32, v30  }
0x245: {  	s23 =	sadd.s32 $0x2, s21;
	v56 =	vld [tilespmem:s19+$0xFFFFFF80];
	v58 =	vmul.f32 v35, v34;
	v59 =	vmul.f32 v36, v34;
	v3 =	vadd.f32 v3, v6  }
0x246: {  	v11 =	vld [tilespmem:s20+$0xFFFFFF70];
	v7 =	vmov s23;
	v8 =	vadd.f32 v13, v8;
	v13 =	vmul.f32 v23, v21  }
0x247: {  	v14 =	vld [tilespmem:s18+$0xFFFFFFB0];
	v21 =	vadd.f32 v54, v52;
	v2 =	vadd.f32 v2, v3;
	v3 =	vmul.f32 v26, v24  }
0x248: {  	v60 =	vld [tilespmem:s18+$0xFFFFFFC0];
	v9 =	vadd.f32 v9, v15;
	v6 =	vmul.f32 v20, v18;
	v18 =	vadd.f32 v50, v48  }
0x249: {  	(xrf2) =	vadd.scan.msk.f32 $0xffff, v5;
	v61 =	vld [tilespmem:s20+$0xFFFFFFC0];
	v12 =	vmul.f32 v12, v38;
	v3 =	vadd.f32 v3, v13;
	v13 =	vmul.f32 v29, v27  }
0x24a: {  	(xrf2) =	vadd.scan.msk.f32 $0xffff, v4;
	v15 =	vld [tilespmem:s20+$0xFFFFFF80];
	v4 =	vadd.f32 v58, v9;
	v9 =	vmul.f32 v51, v49;
	v6 =	vadd.f32 v6, v17  }
0x24b: {  	v11 =	vmul.f32 v11, v38;
	(xrf2) =	vadd.scan.msk.f32 $0xffff, v8;
	v8 =	vadd.f32 v12, v18;
	v5 =	vadd.f32 v57, v13;
	v13 =	vld [tilespmem:s19+$0xFFFFFFC0]  }
0x24c: {  	v4 =	vadd.f32 v9, v4;
	v9 =	vmul.f32 v56, v55;
	(xrf2) =	vadd.scan.msk.f32 $0xffff, v2;
	v2 =	vmul.f32 v46, v14  }
0x24d: {  	v6 =	vadd.f32 v59, v6;
	v3 =	vadd.f32 v11, v3;
	v11 =	vmul.f32 v53, v49  }
0x24e: {  	v7 =	vand.u32 $0xFFFFFFFE, v7;
	(xrf2) =	vadd.scan.msk.f32 $0xffff, v0;
	v0 =	vmul.f32 v47, v14;
	v2 =	vadd.f32 v2, v21  }
0x24f: {  	(xrf2) =	vadd.scan.msk.f32 $0xffff, v4;
	v4 =	vadd.f32 v9, v8;
	v6 =	vadd.f32 v11, v6;
	v11 =	vmul.f32 v15, v55  }
0x250: {  	v0 =	vadd.f32 v0, v5;
	v5 =	vmul.f32 v61, v60;
	v8 =	vmul.f32 v13, v60  }
0x251: {  	v7 =	vbroadcast v7, $0x0;
	v9, _, _ =	vpop (xrf2);
	v3 =	vadd.f32 v11, v3;
	(xrf2) =	vadd.scan.msk.f32 $0xffff, v6  }
0x252: {  	s22 =	sadd.s32 $0x3, s17;
	v0 =	vadd.f32 v5, v0;
	(xrf2) =	vadd.scan.msk.f32 $0xffff, v4;
	v2 =	vadd.f32 v8, v2;
	v8 =	vmov s17  }
0x253: {  	s23 =	sadd.s32 $0x1, s17;
	[tilespmem:v1+s28+$0x0] =	vst.idx.msk vm0, v9;
	v6 =	vmov s22;
	v4, _, _ =	vpop (xrf2);
	(xrf2) =	vadd.scan.msk.f32 $0xffff, v3;
	v3 =	vand.u32 $0xFFFFFFFC, v8  }
0x254: {  	[tilespmem:v1+s29+$0x0] =	vst.idx.msk vm0, v4;
	v1, _, _ =	vpop (xrf2);
	(xrf2) =	vadd.scan.msk.f32 $0xffff, v2;
	v2 =	vbroadcast v3, $0x0;
	v3 =	vmov s23  }
0x255: {  	[tilespmem:v10+s28+$0x0] =	vst.idx.msk vm0, v1;
	v1, _, _ =	vpop (xrf2);
	(xrf2) =	vadd.scan.msk.f32 $0xffff, v0  }
0x256: {  	s19 =	sadd.s32 $0x2, s17;
	[tilespmem:v10+s29+$0x0] =	vst.idx.msk vm0, v1;
	v0, _, _ =	vpop (xrf2);
	v1 =	vand.u32 $0xFFFFFFFD, v3  }
0x257: {  	[tilespmem:v7+s28+$0x0] =	vst.idx.msk vm0, v0;
	v0 =	vbroadcast v1, $0x0;
	v1 =	vmov s19;
	v3, _, _ =	vpop (xrf2)  }
0x258: {  	v1 =	vand.u32 $0xFFFFFFFE, v1;
	v4, _, _ =	vpop (xrf2);
	[tilespmem:v6+s28+$0x0] =	vst.idx.msk vm0, v3  }
0x259: {  	v1 =	vbroadcast v1, $0x0;
	v3, _, _ =	vpop (xrf2);
	[tilespmem:v6+s29+$0x0] =	vst.idx.msk vm0, v4  }
0x25a: {  	v4, _, _ =	vpop (xrf2);
	[tilespmem:v7+s29+$0x0] =	vst.idx.msk vm0, v3  }
0x25b: {  	v3, _, _ =	vpop (xrf2);
	[tilespmem:v2+s28+$0x0] =	vst.idx.msk vm0, v4  }
0x25c: {  	[tilespmem:v2+s29+$0x0] =	vst.idx.msk vm0, v3;
	v2, _, _ =	vpop (xrf2)  }
0x25d: {  	[tilespmem:v0+s28+$0x0] =	vst.idx.msk vm0, v2;
	v2, _, _ =	vpop (xrf2)  }
0x25e: {  	[tilespmem:v0+s29+$0x0] =	vst.idx.msk vm0, v2;
	v0, _, _ =	vpop (xrf2)  }
0x25f: {  	[tilespmem:v1+s28+$0x0] =	vst.idx.msk vm0, v0;
	v0, _, _ =	vpop (xrf2)  }
0x260: {  	[tilespmem:v1+s29+$0x0] =	vst.idx.msk vm0, v0  }
0x261: {  	_ =	swait.ge [sflag:s0], $0x800  }
0x262: {  	[sflag:s0] =	ssyncset.done $0x0  }
0x263: {  	[sflag:s0] =	ssyncadd.s32 $0xFFFFF800  }
0x264: {  	_ =	swait.ge [sflag:s0], $0x800  }
0x265: {  	[sflag:s0] =	ssyncset.done $0x0  }
0x266: {  	[sflag:s0] =	ssyncadd.s32 $0xFFFFF800  }
0x267: {  	_ =	swait.ge [sflag:s0], $0x800  }
0x268: {  	[sflag:s0] =	ssyncset.done $0x0  }
0x269: {  	s20 =	simm.s32 $0x5DF0;
	[sflag:s0] =	ssyncadd.s32 $0xFFFFF800  }
0x26a: {  	v0 =	vld [tilespmem:s20+$0x0]  }
0x26b: {  	v1 =	vld [tilespmem:s20+$0xFFFFFFF0]  }
0x26c: {  	s21 =	simm.s32 $0x18F0;
	v2 =	vld [tilespmem:s20+$0xFFFFFFD0]  }
0x26d: {  	v3 =	vld [tilespmem:s21+$0xFFFFFFD0]  }
0x26e: {  	v4 =	vld [tilespmem:s20+$0xFFFFFFE0]  }
0x26f: {  	v5 =	vld [tilespmem:s21+$0xFFFFFFE0]  }
0x270: {  	s22 =	simm.s32 $0x38F0;
	v6 =	vld [tilespmem:s21+$0xFFFFFFF0]  }
0x271: {  	v7 =	vld [tilespmem:s22+$0xFFFFFFD0]  }
0x272: {  	v8 =	vld [tilespmem:s22+$0xFFFFFFE0]  }
0x273: {  	v9 =	vld [tilespmem:s21+$0x0]  }
0x274: {  	v10 =	vld [tilespmem:s22+$0xFFFFFFF0]  }
0x275: {  	v11 =	vld [tilespmem:s21+$0xFFFFFF10]  }
0x276: {  	v12 =	vld [tilespmem:s22+$0x0]  }
0x277: {  	v13 =	vld [tilespmem:s22+$0xFFFFFF10]  }
0x278: {  	v14 =	vld [tilespmem:s20+$0xFFFFFF20]  }
0x279: {  	v15 =	vld [tilespmem:s21+$0xFFFFFF20]  }
0x27a: {  	v62 =	vld [tilespmem:s22+$0xFFFFFF20]  }
0x27b: {  	v63 =	vld [tilespmem:s20+$0xFFFFFF50]  }
0x27c: {  	v36 =	vld [tilespmem:s21+$0xFFFFFF50]  }
0x27d: {  	v37 =	vld [tilespmem:s22+$0xFFFFFF50]  }
0x27e: {  	v38 =	vld [tilespmem:s20+$0xFFFFFF60]  }
0x27f: {  	v39 =	vld [tilespmem:s21+$0xFFFFFF60]  }
0x280: {  	v40 =	vld [tilespmem:s22+$0xFFFFFF60]  }
0x281: {  	v41 =	vld [tilespmem:s20+$0xFFFFFF90]  }
0x282: {  	v43 =	vld [tilespmem:s22+$0xFFFFFF90]  }
0x283: {  	v44 =	vld [tilespmem:s20+$0xFFFFFFA0]  }
0x284: {  	v45 =	vld [tilespmem:s21+$0xFFFFFFA0]  }
0x285: {  	v46 =	vld [tilespmem:s22+$0xFFFFFFA0]  }
0x286: {  	v47 =	vld [tilespmem:s20+$0xFFFFFF10]  }
0x287: {  	v48 =	vld [tilespmem:s20+$0xFFFFFF30]  }
0x288: {  	v49 =	vld [tilespmem:s21+$0xFFFFFF30]  }
0x289: {  	v50 =	vld [tilespmem:s22+$0xFFFFFF30]  }
0x28a: {  	v51 =	vld [tilespmem:s20+$0xFFFFFF70];
	v3 =	vmul.f32 v3, v2;
	v5 =	vmul.f32 v5, v4  }
0x28b: {  	v52 =	vld [tilespmem:s21+$0xFFFFFF70];
	v2 =	vmul.f32 v7, v2;
	v4 =	vmul.f32 v8, v4  }
0x28c: {  	v7 =	vld [tilespmem:s20+$0xFFFFFFB0];
	v3 =	vadd.f32 v5, v3;
	v5 =	vmul.f32 v6, v1  }
0x28d: {  	v8 =	vld [tilespmem:s21+$0xFFFFFFB0];
	v2 =	vadd.f32 v4, v2;
	v1 =	vmul.f32 v10, v1  }
0x28e: {  	v54 =	vmul.f32 v45, v44;
	v6 =	vld [tilespmem:s22+$0xFFFFFF70];
	v3 =	vadd.f32 v5, v3;
	v5 =	vmul.f32 v9, v0  }
0x28f: {  	v56 =	vmul.f32 v46, v44;
	v4 =	vld [tilespmem:s22+$0xFFFFFFB0];
	v0 =	vmul.f32 v12, v0;
	v1 =	vadd.f32 v1, v2  }
0x290: {  	v53 =	vld [tilespmem:s20+$0xFFFFFF80];
	v59 =	vmul.f32 v50, v48;
	v60 =	vmul.f32 v52, v51;
	v3 =	vadd.f32 v5, v3  }
0x291: {  	v55 =	vld [tilespmem:s21+$0xFFFFFF80];
	v2 =	vmul.f32 v15, v14;
	v9 =	vmul.f32 v62, v14;
	v0 =	vadd.f32 v0, v1  }
0x292: {  	v10 =	vld [tilespmem:s21+$0xFFFFFF40];
	v12 =	vmul.f32 v39, v38;
	v15 =	vmul.f32 v40, v38;
	(xrf2) =	vadd.scan.msk.f32 $0xffff, v3  }
0x293: {  	v8 =	vmul.f32 v8, v7;
	v5 =	vld [tilespmem:s20+$0xFFFFFF40];
	v1 =	vmul.f32 v37, v63;
	(xrf2) =	vadd.scan.msk.f32 $0xffff, v0  }
0x294: {  	v14 =	vld [tilespmem:s22+$0xFFFFFF40];
	v6 =	vmul.f32 v6, v51;
	v4 =	vmul.f32 v4, v7  }
0x295: {  	v42 =	vld [tilespmem:s21+$0xFFFFFF90];
	v3 =	vmul.f32 v36, v63;
	v0 =	vadd.f32 v15, v1;
	v1 =	vmul.f32 v11, v47  }
0x296: {  	v11 =	vmul.f32 v13, v47;
	v15 =	vmul.f32 v43, v41  }
0x297: {  	v3 =	vadd.f32 v12, v3;
	v1 =	vadd.f32 v2, v1;
	v2 =	vmul.f32 v49, v48  }
0x298: {  	v13 =	vld [tilespmem:s22+$0xFFFFFF80];
	v9 =	vadd.f32 v9, v11;
	v15 =	vadd.f32 v56, v15;
	v7 =	vmul.f32 v10, v5  }
0x299: {  	v57 =	vld [tilespmem:s20+$0xFFFFFFC0];
	v5 =	vmul.f32 v14, v5;
	v14 =	vmul.f32 v55, v53;
	v1 =	vadd.f32 v2, v1  }
0x29a: {  	v61 =	vld [tilespmem:s22+$0xFFFFFFC0];
	v12 =	vmul.f32 v42, v41;
	v0 =	vadd.f32 v6, v0;
	v62 =	vadd.f32 v60, v3  }
0x29b: {  	s18 =	simm.s32 $0x5EF0;
	s23 =	simm.s32 $0x63;
	v11 =	vld [tilespmem:s21+$0xFFFFFFC0];
	v9 =	vadd.f32 v59, v9;
	v1 =	vadd.f32 v7, v1  }
0x29c: {  	v58 =	vmov s23;
	v6 =	vld [tilespmem:s18+$0xFFFFFFD0];
	v12 =	vadd.f32 v54, v12;
	v15 =	vadd.f32 v4, v15;
	v10, _, _ =	vpop (xrf2)  }
0x29d: {  	v3 =	vld [tilespmem:s18+$0xFFFFFFF0];
	v4 =	vadd.f32 v5, v9;
	v5 =	vmul.f32 v13, v53;
	v13 =	vadd.f32 v14, v62;
	v14, _, _ =	vpop (xrf2);
	(xrf2) =	vadd.scan.msk.f32 $0xffff, v1  }
0x29e: {  	s19 =	simm.s32 $0x19F0;
	v2 =	vld [tilespmem:s18+$0x0]  }
0x29f: {  	s21 =	simm.s32 $0x60;
	v12 =	vadd.f32 v8, v12;
	v8 =	vld [tilespmem:s19+$0xFFFFFFD0]  }
0x2a0: {  	v7 =	vld [tilespmem:s18+$0xFFFFFFE0];
	v1 =	vmul.f32 v11, v57;
	v11 =	vmov s21;
	(xrf2) =	vadd.scan.msk.f32 $0xffff, v4  }
0x2a1: {  	v5 =	vadd.f32 v5, v0;
	[tilespmem:v58+s28+$0x0] =	vst.idx.msk vm0, v10;
	v10 =	vld [tilespmem:s19+$0xFFFFFFE0];
	v0 =	vand.u32 $0xFFFFFFFC, v11  }
0x2a2: {  	s20 =	simm.s32 $0x39F0;
	v63 =	vmul.f32 v61, v57;
	v9 =	vld [tilespmem:s19+$0xFFFFFFF0];
	v4 =	vadd.f32 v1, v12;
	v1 =	vbroadcast v0, $0x0  }
0x2a3: {  	v11 =	vld [tilespmem:s20+$0xFFFFFFD0];
	(xrf2) =	vadd.scan.msk.f32 $0xffff, v13  }
0x2a4: {  	s17 =	simm.s32 $0x64;
	s22 =	simm.s32 $0x68;
	[tilespmem:v58+s29+$0x0] =	vst.idx.msk vm0, v14;
	v0 =	vadd.f32 v63, v15;
	v12 =	vld [tilespmem:s20+$0xFFFFFFE0]  }
.LBB2_8:
0x2a5: {  	p0 =	slt.u32 s22, $0x7C;
	v13 =	vld [tilespmem:s19+$0x0];
	s23 =	sadd.s32 $0x1, s21  }
0x2a6: {  	v8 =	vmul.f32 v8, v6;
	v10 =	vmul.f32 v10, v7;
	v14 =	vld [tilespmem:s20+$0xFFFFFFF0];
	v15 =	vmov s23;
	(xrf2) =	vadd.scan.msk.f32 $0xffff, v5  }
0x2a7: {  	v5 =	vld [tilespmem:s19+$0xFFFFFF10];
	v15 =	vand.u32 $0xFFFFFFFD, v15;
	v16, _, _ =	vpop (xrf2)  }
0x2a8: {  	v9 =	vmul.f32 v9, v3;
	v8 =	vadd.f32 v10, v8;
	v10 =	vld [tilespmem:s20+$0x0];
	[tilespmem:v1+s28+$0x0] =	vst.idx.msk vm0, v16;
	v15 =	vbroadcast v15, $0x0  }
0x2a9: {  	v6 =	vmul.f32 v11, v6;
	v16 =	vld [tilespmem:s20+$0xFFFFFF10];
	v7 =	vmul.f32 v12, v7;
	(xrf2) =	vadd.scan.msk.f32 $0xffff, v4  }
0x2aa: {  	v4 =	vld [tilespmem:s18+$0xFFFFFF20];
	v17 =	vadd.f32 v9, v8;
	v9 =	vmul.f32 v13, v2;
	v11, _, _ =	vpop (xrf2)  }
0x2ab: {  	s23 =	sadd.s32 $0x2, s21;
	s21 =	smov.u32 s17;
	s17 =	smov.u32 s22;
	v12 =	vld [tilespmem:s19+$0xFFFFFF20];
	v6 =	vadd.f32 v7, v6;
	v3 =	vmul.f32 v14, v3;
	[tilespmem:v1+s29+$0x0] =	vst.idx.msk vm0, v11  }
0x2ac: {  	v11 =	vmov s23;
	v1 =	vld [tilespmem:s20+$0xFFFFFF20];
	v7 =	vadd.f32 v9, v17  }
0x2ad: {  	v9 =	vld [tilespmem:s18+$0xFFFFFF50];
	v3 =	vadd.f32 v3, v6;
	v2 =	vmul.f32 v10, v2;
	v6 =	vand.u32 $0xFFFFFFFE, v11;
	v8, _, _ =	vpop (xrf2)  }
0x2ae: {  	v10 =	vld [tilespmem:s19+$0xFFFFFF50];
	(xrf2) =	vadd.scan.msk.f32 $0xffff, v7;
	[tilespmem:v15+s28+$0x0] =	vst.idx.msk vm0, v8;
	v6 =	vbroadcast v6, $0x0  }
0x2af: {  	v7 =	vld [tilespmem:s20+$0xFFFFFF50];
	v2 =	vadd.f32 v2, v3  }
0x2b0: {  	v3 =	vmul.f32 v12, v4;
	v8 =	vld [tilespmem:s18+$0xFFFFFF60];
	v11, _, _ =	vpop (xrf2)  }
0x2b1: {  	v1 =	vmul.f32 v1, v4;
	v4 =	vld [tilespmem:s19+$0xFFFFFF60];
	(xrf2) =	vadd.scan.msk.f32 $0xffff, v2;
	[tilespmem:v15+s29+$0x0] =	vst.idx.msk vm0, v11  }
0x2b2: {  	v2 =	vld [tilespmem:s20+$0xFFFFFF60]  }
0x2b3: {  	v10 =	vmul.f32 v10, v9;
	v11 =	vld [tilespmem:s18+$0xFFFFFF90];
	v12, _, _ =	vpop (xrf2)  }
0x2b4: {  	v7 =	vmul.f32 v7, v9;
	v9 =	vld [tilespmem:s19+$0xFFFFFF90];
	[tilespmem:v6+s28+$0x0] =	vst.idx.msk vm0, v12;
	(xrf2) =	vadd.scan.msk.f32 $0xffff, v0  }
0x2b5: {  	s23 =	sadd.s32 $0x3, s21;
	v0 =	vld [tilespmem:s20+$0xFFFFFF90]  }
0x2b6: {  	v13 =	vmov s23;
	v4 =	vmul.f32 v4, v8;
	v12 =	vld [tilespmem:s18+$0xFFFFFFA0]  }
0x2b7: {  	v2 =	vmul.f32 v2, v8;
	v8 =	vld [tilespmem:s19+$0xFFFFFFA0]  }
0x2b8: {  	v4 =	vadd.f32 v4, v10;
	v10 =	vld [tilespmem:s20+$0xFFFFFFA0];
	v14, _, _ =	vpop (xrf2)  }
0x2b9: {  	v15 =	vld [tilespmem:s18+$0xFFFFFF10];
	v2 =	vadd.f32 v2, v7;
	v7 =	vmul.f32 v9, v11  }
0x2ba: {  	v9 =	vld [tilespmem:s18+$0xFFFFFF30];
	v0 =	vmul.f32 v0, v11  }
0x2bb: {  	v11 =	vld [tilespmem:s19+$0xFFFFFF30];
	[tilespmem:v13+s28+$0x0] =	vst.idx.msk vm0, v14;
	v14, _, _ =	vpop (xrf2)  }
0x2bc: {  	v17 =	vld [tilespmem:s20+$0xFFFFFF30];
	v18 =	vmul.f32 v8, v12;
	[tilespmem:v13+s29+$0x0] =	vst.idx.msk vm0, v14  }
0x2bd: {  	v13 =	vld [tilespmem:s18+$0xFFFFFF70];
	v10 =	vmul.f32 v10, v12  }
0x2be: {  	v5 =	vmul.f32 v5, v15;
	v12 =	vmul.f32 v16, v15;
	v14 =	vld [tilespmem:s19+$0xFFFFFF70];
	v7 =	vadd.f32 v18, v7;
	v8, _, _ =	vpop (xrf2)  }
0x2bf: {  	v15 =	vld [tilespmem:s20+$0xFFFFFF70];
	v0 =	vadd.f32 v10, v0;
	[tilespmem:v6+s29+$0x0] =	vst.idx.msk vm0, v8  }
0x2c0: {  	v3 =	vadd.f32 v3, v5;
	v1 =	vadd.f32 v1, v12;
	v5 =	vmul.f32 v11, v9;
	v6 =	vld [tilespmem:s18+$0xFFFFFFB0]  }
0x2c1: {  	v8 =	vmul.f32 v17, v9;
	v9 =	vld [tilespmem:s19+$0xFFFFFFB0]  }
0x2c2: {  	v3 =	vadd.f32 v5, v3;
	v5 =	vld [tilespmem:s20+$0xFFFFFFB0]  }
0x2c3: {  	v1 =	vadd.f32 v8, v1;
	v8 =	vld [tilespmem:s18+$0xFFFFFF40];
	v10 =	vmul.f32 v14, v13  }
0x2c4: {  	v11 =	vld [tilespmem:s19+$0xFFFFFF40];
	v12 =	vmul.f32 v15, v13  }
0x2c5: {  	v13 =	vld [tilespmem:s20+$0xFFFFFF40];
	v4 =	vadd.f32 v10, v4  }
0x2c6: {  	v10 =	vadd.f32 v12, v2;
	v12 =	vld [tilespmem:s18+$0xFFFFFF80];
	v2 =	vmul.f32 v9, v6  }
0x2c7: {  	v9 =	vld [tilespmem:s19+$0xFFFFFF80];
	v5 =	vmul.f32 v5, v6  }
0x2c8: {  	v6 =	vld [tilespmem:s20+$0xFFFFFF80];
	v14 =	vadd.f32 v2, v7  }
0x2c9: {  	v2 =	vmul.f32 v11, v8;
	v0 =	vadd.f32 v5, v0;
	v11 =	vld [tilespmem:s18+$0xFFFFFFC0]  }
0x2ca: {  	v5 =	vmul.f32 v13, v8;
	v7 =	vld [tilespmem:s19+$0xFFFFFFC0]  }
0x2cb: {  	s18 =	sadd.s32 $0x100, s18;
	v8 =	vadd.f32 v2, v3;
	v13 =	vld [tilespmem:s20+$0xFFFFFFC0]  }
0x2cc: {  	v2 =	vld [tilespmem:s18+$0x0];
	v1 =	vadd.f32 v5, v1;
	v5 =	vmul.f32 v9, v12  }
0x2cd: {  	v3 =	vld [tilespmem:s18+$0xFFFFFFF0];
	v9 =	vmul.f32 v6, v12;
	(xrf2) =	vadd.scan.msk.f32 $0xffff, v8  }
0x2ce: {  	s19 =	sadd.s32 $0x100, s19;
	v6 =	vld [tilespmem:s18+$0xFFFFFFD0];
	v12 =	vadd.f32 v5, v4  }
0x2cf: {  	v8 =	vld [tilespmem:s19+$0xFFFFFFD0];
	v5 =	vadd.f32 v9, v10;
	v4 =	vmul.f32 v7, v11  }
.Ltmp3:
0x2d0: {  	v9 =	vmov s21;
	v7 =	vld [tilespmem:s18+$0xFFFFFFE0];
	v11 =	vmul.f32 v13, v11;
	(xrf2) =	vadd.scan.msk.f32 $0xffff, v1;
	(pc) =	sbr.rel @p0 .LBB2_8-.Ltmp3, $4  }
0x2d1: {  	v1 =	vand.u32 $0xFFFFFFFC, v9;
	v10 =	vld [tilespmem:s19+$0xFFFFFFE0];
	v4 =	vadd.f32 v4, v14  }
0x2d2: {  	s20 =	sadd.s32 $0x100, s20;
	v1 =	vbroadcast v1, $0x0;
	v9 =	vld [tilespmem:s19+$0xFFFFFFF0];
	v0 =	vadd.f32 v11, v0  }
0x2d3: {  	v11 =	vld [tilespmem:s20+$0xFFFFFFD0];
	(xrf2) =	vadd.scan.msk.f32 $0xffff, v12  }
0x2d4: {  	s22 =	sadd.s32 $0x4, s22;
	v12 =	vld [tilespmem:s20+$0xFFFFFFE0]  }
0x2d5: {  	v13 =	vld [tilespmem:s19+$0x0]  }
0x2d6: {  	v14 =	vld [tilespmem:s20+$0xFFFFFFF0]  }
0x2d7: {  	v15 =	vld [tilespmem:s19+$0xFFFFFF10]  }
0x2d8: {  	v16 =	vld [tilespmem:s20+$0x0]  }
0x2d9: {  	v17 =	vld [tilespmem:s20+$0xFFFFFF10]  }
0x2da: {  	v18 =	vld [tilespmem:s18+$0xFFFFFF20]  }
0x2db: {  	v19 =	vld [tilespmem:s19+$0xFFFFFF20]  }
0x2dc: {  	v20 =	vld [tilespmem:s20+$0xFFFFFF20]  }
0x2dd: {  	v21 =	vld [tilespmem:s18+$0xFFFFFF50]  }
0x2de: {  	v22 =	vld [tilespmem:s19+$0xFFFFFF50]  }
0x2df: {  	v23 =	vld [tilespmem:s20+$0xFFFFFF50]  }
0x2e0: {  	v24 =	vld [tilespmem:s18+$0xFFFFFF60]  }
0x2e1: {  	v25 =	vld [tilespmem:s19+$0xFFFFFF60]  }
0x2e2: {  	v26 =	vld [tilespmem:s20+$0xFFFFFF60]  }
0x2e3: {  	v27 =	vld [tilespmem:s18+$0xFFFFFF90]  }
0x2e4: {  	v28 =	vld [tilespmem:s19+$0xFFFFFF90]  }
0x2e5: {  	v29 =	vld [tilespmem:s20+$0xFFFFFF90]  }
0x2e6: {  	v30 =	vld [tilespmem:s18+$0xFFFFFFA0]  }
0x2e7: {  	v31 =	vld [tilespmem:s19+$0xFFFFFFA0]  }
0x2e8: {  	v32 =	vld [tilespmem:s20+$0xFFFFFFA0]  }
0x2e9: {  	v33 =	vld [tilespmem:s18+$0xFFFFFF10]  }
0x2ea: {  	v34 =	vld [tilespmem:s18+$0xFFFFFF30]  }
0x2eb: {  	v35 =	vld [tilespmem:s19+$0xFFFFFF30]  }
0x2ec: {  	v8 =	vmul.f32 v8, v6;
	v60 =	vld [tilespmem:s20+$0xFFFFFF30];
	v10 =	vmul.f32 v10, v7  }
0x2ed: {  	v38 =	vld [tilespmem:s18+$0xFFFFFFB0];
	v9 =	vmul.f32 v9, v3;
	v58 =	vmul.f32 v11, v6  }
0x2ee: {  	v41 =	vld [tilespmem:s19+$0xFFFFFFB0];
	v59 =	vmul.f32 v12, v7;
	v61 =	vmul.f32 v14, v3  }
0x2ef: {  	v47 =	vld [tilespmem:s18+$0xFFFFFF40];
	v63 =	vmul.f32 v13, v2;
	v37 =	vmul.f32 v16, v2  }
0x2f0: {  	v51 =	vld [tilespmem:s19+$0xFFFFFF40];
	v39 =	vmul.f32 v22, v21;
	v40 =	vmul.f32 v25, v24  }
0x2f1: {  	s22 =	sadd.s32 $0x1, s21;
	v54 =	vld [tilespmem:s20+$0xFFFFFF40];
	v42 =	vmul.f32 v19, v18;
	v43 =	vmul.f32 v20, v18  }
0x2f2: {  	v56 =	vld [tilespmem:s18+$0xFFFFFF80];
	v48 =	vmov s22;
	v45 =	vmul.f32 v23, v21;
	v46 =	vmul.f32 v26, v24  }
0x2f3: {  	s23 =	sadd.s32 $0x2, s21;
	v57 =	vld [tilespmem:s19+$0xFFFFFF80];
	v8 =	vadd.f32 v10, v8;
	v49 =	vmul.f32 v28, v27;
	v50 =	vmul.f32 v29, v27  }
0x2f4: {  	v44 =	vld [tilespmem:s20+$0xFFFFFFB0];
	v55 =	vmov s23;
	v52 =	vmul.f32 v31, v30;
	v53 =	vmul.f32 v32, v30  }
0x2f5: {  	v62 =	vld [tilespmem:s19+$0xFFFFFF70];
	v8 =	vadd.f32 v9, v8;
	v15 =	vmul.f32 v15, v33;
	v17 =	vmul.f32 v17, v33  }
0x2f6: {  	v10 =	vld [tilespmem:s18+$0xFFFFFF70];
	v21 =	vand.u32 $0xFFFFFFFD, v48;
	v11 =	vmul.f32 v60, v34;
	v6 =	vadd.f32 v59, v58  }
0x2f7: {  	v27 =	vand.u32 $0xFFFFFFFE, v55;
	v23 =	vmul.f32 v51, v47;
	v30 =	vmul.f32 v54, v47  }
0x2f8: {  	v36 =	vld [tilespmem:s20+$0xFFFFFF70];
	v31 =	vmul.f32 v41, v38;
	v32 =	vmul.f32 v57, v56;
	v3 =	vadd.f32 v61, v6  }
0x2f9: {  	v60 =	vld [tilespmem:s18+$0xFFFFFFC0];
	v33 =	vmul.f32 v44, v38;
	v8 =	vadd.f32 v63, v8;
	v9 =	vadd.f32 v40, v39  }
0x2fa: {  	v58 =	vld [tilespmem:s20+$0xFFFFFF80];
	v59 =	vmul.f32 v35, v34;
	v2 =	vadd.f32 v37, v3;
	v3 =	vadd.f32 v42, v15  }
0x2fb: {  	(xrf2) =	vadd.scan.msk.f32 $0xffff, v5;
	v19 =	vadd.f32 v46, v45;
	v16 =	vadd.f32 v43, v17;
	v7 =	vmul.f32 v62, v10;
	v62 =	vld [tilespmem:s19+$0xFFFFFFC0]  }
0x2fc: {  	(xrf2) =	vadd.scan.msk.f32 $0xffff, v4;
	v24 =	vld [tilespmem:s20+$0xFFFFFFC0];
	v21 =	vbroadcast v21, $0x0;
	v20 =	vadd.f32 v52, v49;
	v3 =	vadd.f32 v59, v3  }
0x2fd: {  	v61 =	vadd.f32 v53, v50;
	v10 =	vmul.f32 v36, v10;
	v63 =	vadd.f32 v11, v16;
	(xrf2) =	vadd.scan.msk.f32 $0xffff, v8  }
0x2fe: {  	v27 =	vbroadcast v27, $0x0;
	v7 =	vadd.f32 v7, v9;
	(xrf2) =	vadd.scan.msk.f32 $0xffff, v2;
	v3 =	vadd.f32 v23, v3  }
0x2ff: {  	v25 =	vadd.f32 v10, v19;
	v4 =	vadd.f32 v30, v63;
	v34 =	vmul.f32 v58, v56;
	(xrf2) =	vadd.scan.msk.f32 $0xffff, v0  }
0x300: {  	v2 =	vadd.f32 v31, v20;
	v35 =	vadd.f32 v32, v7;
	v36 =	vmul.f32 v62, v60;
	(xrf2) =	vadd.scan.msk.f32 $0xffff, v3  }
0x301: {  	s21 =	sadd.s32 $0x3, s17;
	v37, _, _ =	vpop (xrf2);
	v39 =	vmul.f32 v24, v60;
	v0 =	vadd.f32 v33, v61;
	v38 =	vadd.f32 v34, v25;
	(xrf2) =	vadd.scan.msk.f32 $0xffff, v4  }
0x302: {  	v41 =	vmov s21;
	v2 =	vadd.f32 v36, v2;
	(xrf2) =	vadd.scan.msk.f32 $0xffff, v35  }
0x303: {  	v42 =	vmov s17;
	[tilespmem:v1+s28+$0x0] =	vst.idx.msk vm0, v37;
	v40, _, _ =	vpop (xrf2);
	v0 =	vadd.f32 v39, v0;
	(xrf2) =	vadd.scan.msk.f32 $0xffff, v38  }
0x304: {  	s22 =	sadd.s32 $0x1, s17;
	v44 =	vand.u32 $0xFFFFFFFC, v42;
	[tilespmem:v1+s29+$0x0] =	vst.idx.msk vm0, v40;
	v43, _, _ =	vpop (xrf2);
	(xrf2) =	vadd.scan.msk.f32 $0xffff, v2  }
0x305: {  	v47 =	vmov s22;
	v46 =	vbroadcast v44, $0x0;
	[tilespmem:v21+s28+$0x0] =	vst.idx.msk vm0, v43;
	v45, _, _ =	vpop (xrf2);
	(xrf2) =	vadd.scan.msk.f32 $0xffff, v0  }
0x306: {  	s23 =	sadd.s32 $0x2, s17;
	v49 =	vand.u32 $0xFFFFFFFD, v47;
	v48, _, _ =	vpop (xrf2);
	[tilespmem:v21+s29+$0x0] =	vst.idx.msk vm0, v45  }
0x307: {  	v52 =	vmov s23;
	v51 =	vbroadcast v49, $0x0;
	[tilespmem:v27+s28+$0x0] =	vst.idx.msk vm0, v48;
	v50, _, _ =	vpop (xrf2)  }
0x308: {  	v1 =	vand.u32 $0xFFFFFFFE, v52;
	[tilespmem:v41+s28+$0x0] =	vst.idx.msk vm0, v50;
	v53, _, _ =	vpop (xrf2)  }
0x309: {  	v1 =	vbroadcast v1, $0x0;
	v54, _, _ =	vpop (xrf2);
	[tilespmem:v41+s29+$0x0] =	vst.idx.msk vm0, v53  }
0x30a: {  	[tilespmem:v27+s29+$0x0] =	vst.idx.msk vm0, v54;
	v55, _, _ =	vpop (xrf2)  }
0x30b: {  	v56, _, _ =	vpop (xrf2);
	[tilespmem:v46+s28+$0x0] =	vst.idx.msk vm0, v55  }
0x30c: {  	[tilespmem:v46+s29+$0x0] =	vst.idx.msk vm0, v56;
	v57, _, _ =	vpop (xrf2)  }
0x30d: {  	[tilespmem:v51+s28+$0x0] =	vst.idx.msk vm0, v57;
	v58, _, _ =	vpop (xrf2)  }
0x30e: {  	[tilespmem:v51+s29+$0x0] =	vst.idx.msk vm0, v58;
	v59, _, _ =	vpop (xrf2)  }
0x30f: {  	[tilespmem:v1+s28+$0x0] =	vst.idx.msk vm0, v59;
	v60, _, _ =	vpop (xrf2)  }
0x310: {  	[tilespmem:v1+s29+$0x0] =	vst.idx.msk vm0, v60  }
0x311: {  	_ =	swait.ge [sflag:s15], $0x80  }
0x312: {  	[sflag:s15] =	ssyncset.done $0x0  }
0x313: {  	[sflag:s15] =	ssyncadd.s32 $0xFFFFFF80  }
0x314: {  	_ =	swait.ge [sflag:s15], $0x80  }
0x315: {  	[sflag:s15] =	ssyncset.done $0x0  }
0x316: {  	[sflag:s15] =	ssyncadd.s32 $0xFFFFFF80  }
0x317: {  	_ =	swait.ge [sflag:s15], $0x80  }
0x318: {  	[sflag:s15] =	ssyncset.done $0x0  }
0x319: {  	[sflag:s15] =	ssyncadd.s32 $0xFFFFFF80  }
0x31a: {  	v61 =	vld [tilespmem:$0x4380]  }
0x31b: {  	v62 =	vld [tilespmem:$0x4400]  }
0x31c: {  	v63 =	vld [tilespmem:$0x4280]  }
0x31d: {  	v28 =	vld [tilespmem:$0x4480]  }
0x31e: {  	v29 =	vld [tilespmem:$0x4300]  }
0x31f: {  	v30 =	vld [tilespmem:$0x4390]  }
0x320: {  	v31 =	vld [tilespmem:$0x4410]  }
0x321: {  	v32 =	vld [tilespmem:$0x4290]  }
0x322: {  	v33 =	vld [tilespmem:$0x4490]  }
0x323: {  	v34 =	vld [tilespmem:$0x4310]  }
0x324: {  	v35 =	vld [tilespmem:$0x43A0]  }
0x325: {  	v36 =	vld [tilespmem:$0x4420]  }
0x326: {  	v37 =	vld [tilespmem:$0x42A0]  }
0x327: {  	v38 =	vld [tilespmem:$0x44A0]  }
0x328: {  	v39 =	vld [tilespmem:$0x4320]  }
0x329: {  	v40 =	vld [tilespmem:$0x43B0]  }
0x32a: {  	v41 =	vld [tilespmem:$0x4430]  }
0x32b: {  	v42 =	vld [tilespmem:$0x42B0]  }
0x32c: {  	v43 =	vld [tilespmem:$0x44B0]  }
0x32d: {  	v44 =	vld [tilespmem:$0x4330]  }
0x32e: {  	v45 =	vld [tilespmem:$0x43C0]  }
0x32f: {  	v46 =	vld [tilespmem:$0x4440]  }
0x330: {  	v47 =	vld [tilespmem:$0x42C0]  }
0x331: {  	v48 =	vld [tilespmem:$0x44C0]  }
0x332: {  	v50 =	vld [tilespmem:$0x43D0]  }
0x333: {  	v52 =	vld [tilespmem:$0x42D0];
	v2 =	vadd.f32 v63, v61;
	v0 =	vadd.f32 v29, v61  }
0x334: {  	v49 =	vld [tilespmem:$0x4340];
	v7 =	vadd.f32 v32, v30;
	v5 =	vadd.f32 v34, v30  }
0x335: {  	v51 =	vld [tilespmem:$0x4450];
	v54 =	vadd.f32 v37, v35;
	v57 =	vadd.f32 v39, v35;
	v2 =	vmul.f32 $3.000000120e-01, v2  }
0x336: {  	v9 =	vld [tilespmem:$0x44D0];
	v61 =	vadd.f32 v42, v40;
	v17 =	vadd.f32 v44, v40;
	v0 =	vmul.f32 $3.000000120e-01, v0  }
0x337: {  	v55 =	vld [tilespmem:$0x4350];
	v29 =	vadd.f32 v47, v45;
	v53 =	vmul.f32 $3.000000120e-01, v7;
	v1 =	vadd.f32 v2, v62  }
0x338: {  	v58 =	vld [tilespmem:$0x43E0];
	v37 =	vadd.f32 v52, v50;
	v56 =	vmul.f32 $3.000000120e-01, v5;
	v0 =	vadd.f32 v0, v28  }
0x339: {  	v19 =	vld [tilespmem:$0x4360];
	v60 =	vmul.f32 $3.000000120e-01, v54;
	v14 =	vmul.f32 $3.000000120e-01, v57;
	v59 =	vadd.f32 v53, v31;
	[tilespmem:$0x4400] =	vst v1  }
0x33a: {  	v30 =	vld [tilespmem:$0x43F0];
	v32 =	vmul.f32 $3.000000120e-01, v17;
	v44 =	vmul.f32 $3.000000120e-01, v37;
	v63 =	vadd.f32 v56, v33;
	[tilespmem:$0x4480] =	vst v0  }
0x33b: {  	v34 =	vld [tilespmem:$0x42F0];
	v27 =	vadd.f32 v60, v36;
	v28 =	vmul.f32 $3.000000120e-01, v61;
	v31 =	vadd.f32 v14, v38;
	[tilespmem:$0x4410] =	vst v59  }
0x33c: {  	v62 =	vld [tilespmem:$0x42E0];
	v33 =	vadd.f32 v49, v45;
	v36 =	vmul.f32 $3.000000120e-01, v29;
	v39 =	vadd.f32 v32, v43;
	[tilespmem:$0x4490] =	vst v63  }
0x33d: {  	v38 =	vld [tilespmem:$0x4370];
	v51 =	vadd.f32 v44, v51;
	[tilespmem:$0x4420] =	vst v27;
	v35 =	vadd.f32 v28, v41  }
0x33e: {  	[tilespmem:$0x44A0] =	vst v31;
	v40 =	vmul.f32 $3.000000120e-01, v33;
	v41 =	vadd.f32 v55, v50;
	v43 =	vadd.f32 v36, v46;
	v46 =	vld [tilespmem:$0x44E0]  }
0x33f: {  	v49 =	vadd.f32 v19, v58;
	[tilespmem:$0x44B0] =	vst v39;
	v50 =	vld [tilespmem:$0x4470]  }
0x340: {  	v42 =	vld [tilespmem:$0x4460];
	v53 =	vadd.f32 v34, v30;
	[tilespmem:$0x4450] =	vst v51;
	v47 =	vadd.f32 v40, v48;
	v48 =	vmul.f32 $3.000000120e-01, v41  }
0x341: {  	v54 =	vld [tilespmem:$0x44F0];
	v56 =	vmul.f32 $3.000000120e-01, v49;
	[tilespmem:$0x4430] =	vst v35;
	v45 =	vadd.f32 v62, v58  }
0x342: {  	v59 =	vmul.f32 $3.000000120e-01, v53;
	[tilespmem:$0x4440] =	vst v43;
	v57 =	vadd.f32 v38, v30;
	v55 =	vadd.f32 v48, v9  }
0x343: {  	[tilespmem:$0x44C0] =	vst v47;
	v52 =	vmul.f32 $3.000000120e-01, v45;
	v60 =	vadd.f32 v56, v46  }
0x344: {  	v61 =	vmul.f32 $3.000000120e-01, v57;
	v62 =	vadd.f32 v59, v50;
	[tilespmem:$0x44D0] =	vst v55  }
0x345: {  	v58 =	vadd.f32 v52, v42;
	[tilespmem:$0x44E0] =	vst v60  }
0x346: {  	v63 =	vadd.f32 v61, v54;
	[tilespmem:$0x4470] =	vst v62  }
0x347: {  	[tilespmem:$0x4460] =	vst v58  }
0x348: {  	[tilespmem:$0x44F0] =	vst v63  }
0x349: {  	[hbm4b:s9+s3] =	stream.linear.scatter [tilespmem:s28], [sflag:$0x5], $0x80, $0x38;
	[tilespmem:$0x6500] =	vst v63  }
0x34a: {  	s2 =	sadd.s32 $0x1, s2  }
0x34b: {  	[hbm4b:s10+s3] =	stream.linear.scatter [tilespmem:s29], [sflag:$0x5], $0x80, $0x38;
	[tilespmem:$0x6500] =	vst v63  }
0x34c: {  	p0 =	sne.s32 s2, s11;
	_ =	swait.ge [sflag:s15], $0x80  }
.Ltmp4:
0x34d: {  	[sflag:s15] =	ssyncset.done $0x0;
	(pc) =	sbr.rel @p0 .LBB2_1-.Ltmp4, $4  }
0x34e: {  	[sflag:s15] =	ssyncadd.s32 $0xFFFFFF80  }
0x34f: {  	_ =	swait.ge [sflag:s15], $0x80  }
0x350: {  	[sflag:s15] =	ssyncset.done $0x0  }
0x351: {  	[sflag:s15] =	ssyncadd.s32 $0xFFFFFF80  }
0x352: {  	_ =	sfence.sel $0x180000  }
0x353: {  	[bflag:$0x0] =	sbarrier.arrive $0xFFFF  }
0x354: {  	_ =	strace $0x90000047  }
0x355: {  	s0 =	stileid.u32;
	[bflag:$0x2] =	sbarrier.arrive $0xFFFF  }
0x356: {  	p0 =	sne.s32 s0, $0x0;
	s0 =	rddreg [dreg:$0x7]  }
0x357: {  	s0 =	sadd.s32 @!p0 $0x100000, s0  }
0x358: {  	[sflag:s0] =	ssyncadd.tile.s32 @!p0 $0x1;
	_ =	shalt  }
.Lfunc_end2:
_tile_overlayer_lowered:
.L_overlay_start_2:
0x359: {  	(tag) =	ssettag $0x2  }
0x35a: {  	s0 =	rddreg [dreg:$0x0];
	s2 =	stileid.u32  }
0x35b: {  	s1 =	rddreg [dreg:$0x1];
	p0 =	sne.s32 s2, $0x0  }
0x35c: {  	s3 =	rddreg [dreg:$0x2];
	[bflag:$0x3] =	sbarrier.arrive $0xFFFF;
	s2 =	simm.s32 @!p0 $0x1C06  }
0x35d: {  	[timem:s3], [sflag:s2] =	dma.local @!p0 [hbm:s0], s1  }
0x35e: {  	s0 =	simm.s32 @!p0 $0x6  }
0x35f: {  	_ =	swait.ge @!p0 [sflag:s0], s1  }
0x360: {  	s1 =	ssub.s32 @!p0 $0x0, s1;
	[sflag:s0] =	ssyncset.done @!p0 $0x0  }
0x361: {  	[sflag:s0] =	ssyncadd.s32 @!p0 s1  }
0x362: {  	[bflag:$0x3] =	sbarrier.arrive $0xFFFF  }
0x363: {  	_ =	shalt  }

</sc_bundles>
